<compile_context>
chip_gen: v7x
topology: tpu7x:2x2x1
jax: 0.10.2.dev20260603
libtpu: 0.0.44.dev20260713+nightly
codegen_flags: <defaults>
</compile_context>

<pallas_src>
import functools

import jax
import jax.numpy as jnp
from jax import lax
from jax.experimental import pallas as pl
from jax.experimental.pallas import tpu as pltpu
from jax.experimental.pallas import tpu_sc as plsc

B, N, C = 16, 131072, 3
NPOINT = 16384

TILES = 32
LANES = 16

ROW_TILE, COL_TILE = 8, 128
NT = N // COL_TILE
TILE_WORDS = ROW_TILE * COL_TILE
BT = B // ROW_TILE
RANGES = TILES // BT
NPT = NPOINT // COL_TILE
RPT = NPT // RANGES
PTS = RPT * ROW_TILE * COL_TILE
PLANE = BT * NT * TILE_WORDS
STEPS = PTS // LANES
GCHUNKS = 4


def _sc_gather(xyz_tiles, pidx_tiles):
    mesh = plsc.VectorSubcoreMesh(core_axis_name="c", subcore_axis_name="s")

    @functools.partial(
        pl.kernel,
        mesh=mesh,
        compiler_params=pltpu.CompilerParams(
            use_tc_tiling_on_sc=False,
            needs_layout_passes=False,
            skip_device_barrier=True,
        ),
        out_type=jax.ShapeDtypeStruct((C, BT, RANGES, PTS), jnp.float32),
        scratch_types=[
            pltpu.VMEM((RPT, ROW_TILE, COL_TILE), jnp.int32),
            pltpu.VMEM((PTS,), jnp.int32),
            pltpu.VMEM((PTS,), jnp.float32),
            pltpu.VMEM((PTS,), jnp.float32),
            pltpu.VMEM((PTS,), jnp.float32),
            pltpu.SemaphoreType.DMA,
            pltpu.SemaphoreType.DMA,
            pltpu.SemaphoreType.DMA,
        ],
    )
    def k(xyz_hbm, pidx_hbm, out_hbm, idx_v, a_v,
          p0_v, p1_v, p2_v, sem0, sem1, osem):
        wid = lax.axis_index("s") * 2 + lax.axis_index("c")
        bt = wid // RANGES
        r = wid % RANGES

        pltpu.sync_copy(pidx_hbm.at[bt, pl.ds(r * RPT, RPT)], idx_v)

        bt_base = bt * (NT * TILE_WORDS)

        def expand(kk, carry):
            nt_ = kk // 64
            rem = kk - nt_ * 64
            b8 = rem // 8
            i = rem - b8 * 8
            v = idx_v[nt_, b8, pl.ds(i * LANES, LANES)]
            t = ((v >> 7) << 10) + (v & 127) + (bt_base + b8 * COL_TILE)
            a_v[pl.ds(kk * LANES, LANES)] = t
            return carry

        planes = (p0_v, p1_v, p2_v)
        sems = (sem0, sem1)
        GSTEPS = STEPS // GCHUNKS
        GPTS = PTS // GCHUNKS
        copies = []
        for g in range(GCHUNKS):
            lax.fori_loop(g * GSTEPS, (g + 1) * GSTEPS, expand, 0)
            for c in range(C):
                copies.append(
                    pltpu.async_copy(
                        xyz_hbm.at[pl.ds(c * PLANE, PLANE)].at[
                            a_v.at[pl.ds(g * GPTS, GPTS)]
                        ],
                        planes[c].at[pl.ds(g * GPTS, GPTS)],
                        sems[g % 2],
                    )
                )
        for cp in copies:
            cp.wait()
        outs = [
            pltpu.async_copy(planes[c], out_hbm.at[c, bt, r], osem)
            for c in range(C)
        ]
        for cp in outs:
            cp.wait()

    return k(xyz_tiles, pidx_tiles)


def kernel(xyz, point_indices):
    xyz_tiles = (
        xyz.transpose(2, 0, 1)
        .reshape(C, BT, ROW_TILE, NT, COL_TILE)
        .transpose(0, 1, 3, 2, 4)
        .reshape(-1)
    )
    pidx_tiles = (
        point_indices.reshape(BT, ROW_TILE, NPT, COL_TILE)
        .transpose(0, 2, 1, 3)
    )
    out5 = _sc_gather(xyz_tiles, pidx_tiles)
    out = (
        out5.reshape(C, BT, NPT, ROW_TILE, COL_TILE)
        .transpose(1, 3, 2, 4, 0)
        .reshape(B, NPOINT, C)
    )
    return out

# --- scband reference (transcript-rebuilt; emitter-appended) ---
"""Pipeline reference for scband-gather-points-73023033967203 (READ-ONLY COPY).

The authoritative reference and input builder live on the scoring server;
editing this copy changes nothing except your own understanding.
"""

import jax, jax.numpy as jnp
import numpy as np

B, N, C = 16, 131072, 3
NPOINT = 16384

def setup_inputs(seed: int = 0) -> dict:
    key = jax.random.key(seed)
    k1, k2 = jax.random.split(key)
    xyz = jax.random.normal(k1, (B, N, C), dtype=jnp.float32)
    point_indices = jax.random.randint(k2, (B, NPOINT), 0, N, dtype=jnp.int32)
    return {"xyz": xyz, "point_indices": point_indices}

def reference(xyz, point_indices):
    # Original torch module:
    #   xyz_flipped = xyz.transpose(1, 2)                      -> [B, C, N]
    #   gather_operation(xyz_flipped, point_indices)           -> [B, C, npoint]
    #   .transpose(1, 2)                                       -> [B, npoint, C]
    # Net effect: per-batch gather of rows of xyz along the N axis.
    def gather_one(x, idx):
        return jnp.take(x, idx, axis=0)  # [npoint, C]
    out = jax.vmap(gather_one)(xyz, point_indices)  # [B, npoint, C]
    return out

if __name__ == "__main__":
    import jax
    _d = setup_inputs()
    print(jax.jit(kernel)(*tuple(_d.values())))

</pallas_src>

<mosaic_0001>
#map = affine_map<(d0, d1) -> (0)>
#map1 = affine_map<(d0, d1) -> (0, 0, 0, 0)>
module attributes {stable_mosaic.version = 14 : i64} {
  func.func @k(%arg0: i32, %arg1: i32, %arg2: memref<6291456xf32, #tpu.memory_space<hbm>>, %arg3: memref<2x128x8x128xi32, #tpu.memory_space<hbm>>, %arg4: memref<3x2x16x8192xf32, #tpu.memory_space<hbm>>, %arg5: memref<8x8x128xi32, #tpu.memory_space<vmem>>, %arg6: memref<8192xi32, #tpu.memory_space<vmem>>, %arg7: memref<8192xf32, #tpu.memory_space<vmem>>, %arg8: memref<8192xf32, #tpu.memory_space<vmem>>, %arg9: memref<8192xf32, #tpu.memory_space<vmem>>, %arg10: memref<!tpu.dma_semaphore, #tpu.memory_space<semaphore_mem>>, %arg11: memref<!tpu.dma_semaphore, #tpu.memory_space<semaphore_mem>>, %arg12: memref<!tpu.dma_semaphore, #tpu.memory_space<semaphore_mem>>) attributes {dimension_semantics = [#tpu.dimension_semantics<core_parallel>, #tpu.dimension_semantics<subcore_parallel>], iteration_bounds = array<i64: 2, 16>, scalar_prefetch = 0 : i64, scratch_operands = 8 : i64, tpu.core_type = #tpu.core_type<sc_vector_subcore>, window_params = [{transform_indices = #map}, {transform_indices = #map1}, {transform_indices = #map1}]} {
    %mul3A = arith.constant 2 : i32
    %mul3A_0 = arith.muli %arg1, %mul3A : i32
    %add3A = arith.addi %mul3A_0, %arg0 : i32
    %jit3A = arith.constant 16 : i32
    %div3A = arith.divsi %add3A, %jit3A : i32
    %sign3A = arith.constant 0 : i32
    %sign3A_1 = arith.cmpi sgt, %add3A, %sign3A : i32
    %sign3A_2 = arith.extui %sign3A_1 : i1 to i32
    %sign3A_3 = arith.constant 0 : i32
    %sign3A_4 = arith.cmpi slt, %add3A, %sign3A_3 : i32
    %sign3A_5 = arith.extui %sign3A_4 : i1 to i32
    %sign3A_6 = arith.subi %sign3A_2, %sign3A_5 : i32
    %sign3A_7 = arith.constant 0 : i32
    %sign3A_8 = arith.cmpi sgt, %jit3A, %sign3A_7 : i32
    %sign3A_9 = arith.extui %sign3A_8 : i1 to i32
    %sign3A_10 = arith.constant 0 : i32
    %sign3A_11 = arith.cmpi slt, %jit3A, %sign3A_10 : i32
    %sign3A_12 = arith.extui %sign3A_11 : i1 to i32
    %sign3A_13 = arith.subi %sign3A_9, %sign3A_12 : i32
    %ne3A = arith.cmpi ne, %sign3A_6, %sign3A_13 : i32
    %rem3A = arith.remsi %add3A, %jit3A : i32
    %ne3A_14 = arith.constant 0 : i32
    %ne3A_15 = arith.cmpi ne, %rem3A, %ne3A_14 : i32
    %and3A = arith.andi %ne3A, %ne3A_15 : i1
    %sub3A = arith.constant 1 : i32
    %sub3A_16 = arith.subi %div3A, %sub3A : i32
    %select_n3A = arith.select %and3A, %sub3A_16, %div3A : i32
    %jit3A_17 = arith.constant 16 : i32
    %eq3A = arith.constant 0 : i32
    %eq3A_18 = arith.cmpi eq, %jit3A_17, %eq3A : i32
    %jit3A_19 = arith.constant 1 : i32
    %select_n3A_20 = arith.select %eq3A_18, %jit3A_19, %jit3A_17 : i32
    %rem3A_21 = arith.remsi %add3A, %select_n3A_20 : i32
    %ne3A_22 = arith.constant 0 : i32
    %ne3A_23 = arith.cmpi ne, %rem3A_21, %ne3A_22 : i32
    %lt3A = arith.constant 0 : i32
    %lt3A_24 = arith.cmpi slt, %rem3A_21, %lt3A : i32
    %lt3A_25 = arith.constant 0 : i32
    %lt3A_26 = arith.cmpi slt, %select_n3A_20, %lt3A_25 : i32
    %ne3A_27 = arith.xori %lt3A_24, %lt3A_26 : i1
    %and3A_28 = arith.andi %ne3A_27, %ne3A_23 : i1
    %add3A_29 = arith.addi %rem3A_21, %select_n3A_20 : i32
    %select_n3A_30 = arith.select %and3A_28, %add3A_29, %rem3A_21 : i32
    %mul3A_31 = arith.constant 8 : i32
    %mul3A_32 = arith.muli %select_n3A_30, %mul3A_31 : i32
    "tpu.region"() ({
      %run_scoped3A = tpu.sem_alloc : memref<!tpu.dma_semaphore, #tpu.memory_space<semaphore_mem>>
      %dma_start3A_290 = arith.constant 0 : i32
      %dma_start3A_291 = arith.constant 0 : i32
      %dma_start3A_292 = tpu.memref_slice %arg3[%select_n3A, %mul3A_32, %dma_start3A_290, %dma_start3A_291] : memref<2x128x8x128xi32, #tpu.memory_space<hbm>> -> memref<1x8x8x128xi32, #tpu.memory_space<hbm>>
      %dma_start3A_293 = tpu.memref_squeeze %dma_start3A_292 : memref<1x8x8x128xi32, #tpu.memory_space<hbm>> -> memref<8x8x128xi32, #tpu.memory_space<hbm>>
      %dma_start3A_294 = arith.constant 0 : i32
      %dma_start3A_295 = arith.constant 0 : i32
      %dma_start3A_296 = tpu.memref_slice %arg3[%select_n3A, %mul3A_32, %dma_start3A_294, %dma_start3A_295] : memref<2x128x8x128xi32, #tpu.memory_space<hbm>> -> memref<1x8x8x128xi32, #tpu.memory_space<hbm>>
      %dma_start3A_297 = tpu.memref_squeeze %dma_start3A_296 : memref<1x8x8x128xi32, #tpu.memory_space<hbm>> -> memref<8x8x128xi32, #tpu.memory_space<hbm>>
      tpu.enqueue_dma source(%dma_start3A_297 : memref<8x8x128xi32, #tpu.memory_space<hbm>>) target(%arg5 : memref<8x8x128xi32, #tpu.memory_space<vmem>>) target_semaphore(%run_scoped3A : memref<!tpu.dma_semaphore, #tpu.memory_space<semaphore_mem>>)
      %dma_wait3A_298 = arith.constant 0 : i32
      %dma_wait3A_299 = arith.constant 0 : i32
      %dma_wait3A_300 = tpu.memref_slice %arg3[%select_n3A, %mul3A_32, %dma_wait3A_298, %dma_wait3A_299] : memref<2x128x8x128xi32, #tpu.memory_space<hbm>> -> memref<1x8x8x128xi32, #tpu.memory_space<hbm>>
      %dma_wait3A_301 = tpu.memref_squeeze %dma_wait3A_300 : memref<1x8x8x128xi32, #tpu.memory_space<hbm>> -> memref<8x8x128xi32, #tpu.memory_space<hbm>>
      %dma_wait3A_302 = arith.constant 0 : i32
      %dma_wait3A_303 = arith.constant 0 : i32
      %dma_wait3A_304 = tpu.memref_slice %arg3[%select_n3A, %mul3A_32, %dma_wait3A_302, %dma_wait3A_303] : memref<2x128x8x128xi32, #tpu.memory_space<hbm>> -> memref<1x8x8x128xi32, #tpu.memory_space<hbm>>
      %dma_wait3A_305 = tpu.memref_squeeze %dma_wait3A_304 : memref<1x8x8x128xi32, #tpu.memory_space<hbm>> -> memref<8x8x128xi32, #tpu.memory_space<hbm>>
      tpu.wait_dma2 semaphore(%run_scoped3A : memref<!tpu.dma_semaphore, #tpu.memory_space<semaphore_mem>>) src(%dma_wait3A_305 : memref<8x8x128xi32, #tpu.memory_space<hbm>>) dst(%arg5 : memref<8x8x128xi32, #tpu.memory_space<vmem>>)
      tpu.yield
    }) : () -> ()
    %mul3A_33 = arith.constant 1048576 : i32
    %mul3A_34 = arith.muli %select_n3A, %mul3A_33 : i32
    %scan3A = arith.constant 0 : i32
    %scan3A_35 = arith.constant 0 : i32
    %scan3A_36 = arith.constant 128 : i32
    %scan3A_37 = arith.addi %scan3A_35, %scan3A_36 : i32
    %scan3A_38 = arith.constant 1 : i32
    scf.for %scan3A_290 = %scan3A_35 to %scan3A_37 step %scan3A_38  : i32 {
      %jit3A_291 = arith.constant 64 : i32
      %div3A_292 = arith.divsi %scan3A_290, %jit3A_291 : i32
      %sign3A_293 = arith.constant 0 : i32
      %sign3A_294 = arith.cmpi sgt, %scan3A_290, %sign3A_293 : i32
      %sign3A_295 = arith.extui %sign3A_294 : i1 to i32
      %sign3A_296 = arith.constant 0 : i32
      %sign3A_297 = arith.cmpi slt, %scan3A_290, %sign3A_296 : i32
      %sign3A_298 = arith.extui %sign3A_297 : i1 to i32
      %sign3A_299 = arith.subi %sign3A_295, %sign3A_298 : i32
      %sign3A_300 = arith.constant 0 : i32
      %sign3A_301 = arith.cmpi sgt, %jit3A_291, %sign3A_300 : i32
      %sign3A_302 = arith.extui %sign3A_301 : i1 to i32
      %sign3A_303 = arith.constant 0 : i32
      %sign3A_304 = arith.cmpi slt, %jit3A_291, %sign3A_303 : i32
      %sign3A_305 = arith.extui %sign3A_304 : i1 to i32
      %sign3A_306 = arith.subi %sign3A_302, %sign3A_305 : i32
      %ne3A_307 = arith.cmpi ne, %sign3A_299, %sign3A_306 : i32
      %rem3A_308 = arith.remsi %scan3A_290, %jit3A_291 : i32
      %ne3A_309 = arith.constant 0 : i32
      %ne3A_310 = arith.cmpi ne, %rem3A_308, %ne3A_309 : i32
      %and3A_311 = arith.andi %ne3A_307, %ne3A_310 : i1
      %sub3A_312 = arith.constant 1 : i32
      %sub3A_313 = arith.subi %div3A_292, %sub3A_312 : i32
      %select_n3A_314 = arith.select %and3A_311, %sub3A_313, %div3A_292 : i32
      %mul3A_315 = arith.constant 64 : i32
      %mul3A_316 = arith.muli %select_n3A_314, %mul3A_315 : i32
      %sub3A_317 = arith.subi %scan3A_290, %mul3A_316 : i32
      %jit3A_318 = arith.constant 8 : i32
      %div3A_319 = arith.divsi %sub3A_317, %jit3A_318 : i32
      %sign3A_320 = arith.constant 0 : i32
      %sign3A_321 = arith.cmpi sgt, %sub3A_317, %sign3A_320 : i32
      %sign3A_322 = arith.extui %sign3A_321 : i1 to i32
      %sign3A_323 = arith.constant 0 : i32
      %sign3A_324 = arith.cmpi slt, %sub3A_317, %sign3A_323 : i32
      %sign3A_325 = arith.extui %sign3A_324 : i1 to i32
      %sign3A_326 = arith.subi %sign3A_322, %sign3A_325 : i32
      %sign3A_327 = arith.constant 0 : i32
      %sign3A_328 = arith.cmpi sgt, %jit3A_318, %sign3A_327 : i32
      %sign3A_329 = arith.extui %sign3A_328 : i1 to i32
      %sign3A_330 = arith.constant 0 : i32
      %sign3A_331 = arith.cmpi slt, %jit3A_318, %sign3A_330 : i32
      %sign3A_332 = arith.extui %sign3A_331 : i1 to i32
      %sign3A_333 = arith.subi %sign3A_329, %sign3A_332 : i32
      %ne3A_334 = arith.cmpi ne, %sign3A_326, %sign3A_333 : i32
      %rem3A_335 = arith.remsi %sub3A_317, %jit3A_318 : i32
      %ne3A_336 = arith.constant 0 : i32
      %ne3A_337 = arith.cmpi ne, %rem3A_335, %ne3A_336 : i32
      %and3A_338 = arith.andi %ne3A_334, %ne3A_337 : i1
      %sub3A_339 = arith.constant 1 : i32
      %sub3A_340 = arith.subi %div3A_319, %sub3A_339 : i32
      %select_n3A_341 = arith.select %and3A_338, %sub3A_340, %div3A_319 : i32
      %mul3A_342 = arith.constant 8 : i32
      %mul3A_343 = arith.muli %select_n3A_341, %mul3A_342 : i32
      %sub3A_344 = arith.subi %sub3A_317, %mul3A_343 : i32
      %mul3A_345 = arith.constant 16 : i32
      %mul3A_346 = arith.muli %sub3A_344, %mul3A_345 : i32
      %get3A = arith.index_cast %select_n3A_314 : i32 to index
      %get3A_347 = arith.index_cast %select_n3A_341 : i32 to index
      %get3A_348 = arith.index_cast %mul3A_346 : i32 to index
      %get3A_349 = tpu.vector_load %arg5[%get3A, %get3A_347, %get3A_348] {strides = array<i32>} : memref<8x8x128xi32, #tpu.memory_space<vmem>>, vector<16xi32>,
      %shift_right_arithmetic3A = arith.constant 7 : i32
      %shift_right_arithmetic3A_350 = vector.broadcast %shift_right_arithmetic3A : i32 to vector<16xi32>
      %shift_right_arithmetic3A_351 = arith.shrsi %get3A_349, %shift_right_arithmetic3A_350 : vector<16xi32>
      %shift_left3A = arith.constant 10 : i32
      %shift_left3A_352 = vector.broadcast %shift_left3A : i32 to vector<16xi32>
      %shift_left3A_353 = arith.shli %shift_right_arithmetic3A_351, %shift_left3A_352 : vector<16xi32>
      %and3A_354 = arith.constant 127 : i32
      %and3A_355 = vector.broadcast %and3A_354 : i32 to vector<16xi32>
      %and3A_356 = arith.andi %get3A_349, %and3A_355 : vector<16xi32>
      %add3A_357 = arith.addi %shift_left3A_353, %and3A_356 : vector<16xi32>
      %mul3A_358 = arith.constant 128 : i32
      %mul3A_359 = arith.muli %select_n3A_341, %mul3A_358 : i32
      %add3A_360 = arith.addi %mul3A_34, %mul3A_359 : i32
      %add3A_361 = vector.broadcast %add3A_360 : i32 to vector<16xi32>
      %add3A_362 = arith.addi %add3A_357, %add3A_361 : vector<16xi32>
      %mul3A_363 = arith.constant 16 : i32
      %mul3A_364 = arith.muli %scan3A_290, %mul3A_363 : i32
      %swap3A = arith.index_cast %mul3A_364 : i32 to index
      %swap3A_365 = tpu.vector_load %arg6[%swap3A] {strides = array<i32>} : memref<8192xi32, #tpu.memory_space<vmem>>, vector<16xi32>,
      tpu.vector_store %arg6[%swap3A], %add3A_362 {strides = array<i32>} : memref<8192xi32, #tpu.memory_space<vmem>>, vector<16xi32>,
    }
    %scan3A_39 = arith.constant 128 : i32
    %dma_start3A = arith.constant 0 : i32
    %dma_start3A_40 = tpu.memref_slice %arg7[%dma_start3A] : memref<8192xf32, #tpu.memory_space<vmem>> -> memref<2048xf32, #tpu.memory_space<vmem>>
    %dma_start3A_41 = arith.constant 0 : i32
    %dma_start3A_42 = tpu.memref_slice %arg6[%dma_start3A_41] : memref<8192xi32, #tpu.memory_space<vmem>> -> memref<2048xi32, #tpu.memory_space<vmem>>
    %dma_start3A_43 = arith.constant 0 : i32
    %dma_start3A_44 = tpu.memref_slice %arg2[%dma_start3A_43] : memref<6291456xf32, #tpu.memory_space<hbm>> -> memref<2097152xf32, #tpu.memory_space<hbm>>
    %dma_start3A_45 = arith.constant 0 : i32
    %dma_start3A_46 = tpu.memref_slice %dma_start3A_44[%dma_start3A_45] : memref<2097152xf32, #tpu.memory_space<hbm>> -> memref<2097152xf32, #tpu.memory_space<hbm>>
    tpu.enqueue_indirect_dma source(%dma_start3A_46 : memref<2097152xf32, #tpu.memory_space<hbm>>) target(%dma_start3A_40 : memref<2048xf32, #tpu.memory_space<vmem>>) offsets(%dma_start3A_42 : memref<2048xi32, #tpu.memory_space<vmem>>) semaphore(%arg10 : memref<!tpu.dma_semaphore, #tpu.memory_space<semaphore_mem>>)
    %dma_start3A_47 = arith.constant 0 : i32
    %dma_start3A_48 = tpu.memref_slice %arg8[%dma_start3A_47] : memref<8192xf32, #tpu.memory_space<vmem>> -> memref<2048xf32, #tpu.memory_space<vmem>>
    %dma_start3A_49 = arith.constant 0 : i32
    %dma_start3A_50 = tpu.memref_slice %arg6[%dma_start3A_49] : memref<8192xi32, #tpu.memory_space<vmem>> -> memref<2048xi32, #tpu.memory_space<vmem>>
    %dma_start3A_51 = arith.constant 2097152 : i32
    %dma_start3A_52 = tpu.memref_slice %arg2[%dma_start3A_51] : memref<6291456xf32, #tpu.memory_space<hbm>> -> memref<2097152xf32, #tpu.memory_space<hbm>>
    %dma_start3A_53 = arith.constant 0 : i32
    %dma_start3A_54 = tpu.memref_slice %dma_start3A_52[%dma_start3A_53] : memref<2097152xf32, #tpu.memory_space<hbm>> -> memref<2097152xf32, #tpu.memory_space<hbm>>
    tpu.enqueue_indirect_dma source(%dma_start3A_54 : memref<2097152xf32, #tpu.memory_space<hbm>>) target(%dma_start3A_48 : memref<2048xf32, #tpu.memory_space<vmem>>) offsets(%dma_start3A_50 : memref<2048xi32, #tpu.memory_space<vmem>>) semaphore(%arg10 : memref<!tpu.dma_semaphore, #tpu.memory_space<semaphore_mem>>)
    %dma_start3A_55 = arith.constant 0 : i32
    %dma_start3A_56 = tpu.memref_slice %arg9[%dma_start3A_55] : memref<8192xf32, #tpu.memory_space<vmem>> -> memref<2048xf32, #tpu.memory_space<vmem>>
    %dma_start3A_57 = arith.constant 0 : i32
    %dma_start3A_58 = tpu.memref_slice %arg6[%dma_start3A_57] : memref<8192xi32, #tpu.memory_space<vmem>> -> memref<2048xi32, #tpu.memory_space<vmem>>
    %dma_start3A_59 = arith.constant 4194304 : i32
    %dma_start3A_60 = tpu.memref_slice %arg2[%dma_start3A_59] : memref<6291456xf32, #tpu.memory_space<hbm>> -> memref<2097152xf32, #tpu.memory_space<hbm>>
    %dma_start3A_61 = arith.constant 0 : i32
    %dma_start3A_62 = tpu.memref_slice %dma_start3A_60[%dma_start3A_61] : memref<2097152xf32, #tpu.memory_space<hbm>> -> memref<2097152xf32, #tpu.memory_space<hbm>>
    tpu.enqueue_indirect_dma source(%dma_start3A_62 : memref<2097152xf32, #tpu.memory_space<hbm>>) target(%dma_start3A_56 : memref<2048xf32, #tpu.memory_space<vmem>>) offsets(%dma_start3A_58 : memref<2048xi32, #tpu.memory_space<vmem>>) semaphore(%arg10 : memref<!tpu.dma_semaphore, #tpu.memory_space<semaphore_mem>>)
    %scan3A_63 = arith.constant 0 : i32
    %scan3A_64 = arith.constant 128 : i32
    %scan3A_65 = arith.constant 128 : i32
    %scan3A_66 = arith.addi %scan3A_64, %scan3A_65 : i32
    %scan3A_67 = arith.constant 1 : i32
    scf.for %scan3A_290 = %scan3A_64 to %scan3A_66 step %scan3A_67  : i32 {
      %jit3A_291 = arith.constant 64 : i32
      %div3A_292 = arith.divsi %scan3A_290, %jit3A_291 : i32
      %sign3A_293 = arith.constant 0 : i32
      %sign3A_294 = arith.cmpi sgt, %scan3A_290, %sign3A_293 : i32
      %sign3A_295 = arith.extui %sign3A_294 : i1 to i32
      %sign3A_296 = arith.constant 0 : i32
      %sign3A_297 = arith.cmpi slt, %scan3A_290, %sign3A_296 : i32
      %sign3A_298 = arith.extui %sign3A_297 : i1 to i32
      %sign3A_299 = arith.subi %sign3A_295, %sign3A_298 : i32
      %sign3A_300 = arith.constant 0 : i32
      %sign3A_301 = arith.cmpi sgt, %jit3A_291, %sign3A_300 : i32
      %sign3A_302 = arith.extui %sign3A_301 : i1 to i32
      %sign3A_303 = arith.constant 0 : i32
      %sign3A_304 = arith.cmpi slt, %jit3A_291, %sign3A_303 : i32
      %sign3A_305 = arith.extui %sign3A_304 : i1 to i32
      %sign3A_306 = arith.subi %sign3A_302, %sign3A_305 : i32
      %ne3A_307 = arith.cmpi ne, %sign3A_299, %sign3A_306 : i32
      %rem3A_308 = arith.remsi %scan3A_290, %jit3A_291 : i32
      %ne3A_309 = arith.constant 0 : i32
      %ne3A_310 = arith.cmpi ne, %rem3A_308, %ne3A_309 : i32
      %and3A_311 = arith.andi %ne3A_307, %ne3A_310 : i1
      %sub3A_312 = arith.constant 1 : i32
      %sub3A_313 = arith.subi %div3A_292, %sub3A_312 : i32
      %select_n3A_314 = arith.select %and3A_311, %sub3A_313, %div3A_292 : i32
      %mul3A_315 = arith.constant 64 : i32
      %mul3A_316 = arith.muli %select_n3A_314, %mul3A_315 : i32
      %sub3A_317 = arith.subi %scan3A_290, %mul3A_316 : i32
      %jit3A_318 = arith.constant 8 : i32
      %div3A_319 = arith.divsi %sub3A_317, %jit3A_318 : i32
      %sign3A_320 = arith.constant 0 : i32
      %sign3A_321 = arith.cmpi sgt, %sub3A_317, %sign3A_320 : i32
      %sign3A_322 = arith.extui %sign3A_321 : i1 to i32
      %sign3A_323 = arith.constant 0 : i32
      %sign3A_324 = arith.cmpi slt, %sub3A_317, %sign3A_323 : i32
      %sign3A_325 = arith.extui %sign3A_324 : i1 to i32
      %sign3A_326 = arith.subi %sign3A_322, %sign3A_325 : i32
      %sign3A_327 = arith.constant 0 : i32
      %sign3A_328 = arith.cmpi sgt, %jit3A_318, %sign3A_327 : i32
      %sign3A_329 = arith.extui %sign3A_328 : i1 to i32
      %sign3A_330 = arith.constant 0 : i32
      %sign3A_331 = arith.cmpi slt, %jit3A_318, %sign3A_330 : i32
      %sign3A_332 = arith.extui %sign3A_331 : i1 to i32
      %sign3A_333 = arith.subi %sign3A_329, %sign3A_332 : i32
      %ne3A_334 = arith.cmpi ne, %sign3A_326, %sign3A_333 : i32
      %rem3A_335 = arith.remsi %sub3A_317, %jit3A_318 : i32
      %ne3A_336 = arith.constant 0 : i32
      %ne3A_337 = arith.cmpi ne, %rem3A_335, %ne3A_336 : i32
      %and3A_338 = arith.andi %ne3A_334, %ne3A_337 : i1
      %sub3A_339 = arith.constant 1 : i32
      %sub3A_340 = arith.subi %div3A_319, %sub3A_339 : i32
      %select_n3A_341 = arith.select %and3A_338, %sub3A_340, %div3A_319 : i32
      %mul3A_342 = arith.constant 8 : i32
      %mul3A_343 = arith.muli %select_n3A_341, %mul3A_342 : i32
      %sub3A_344 = arith.subi %sub3A_317, %mul3A_343 : i32
      %mul3A_345 = arith.constant 16 : i32
      %mul3A_346 = arith.muli %sub3A_344, %mul3A_345 : i32
      %get3A = arith.index_cast %select_n3A_314 : i32 to index
      %get3A_347 = arith.index_cast %select_n3A_341 : i32 to index
      %get3A_348 = arith.index_cast %mul3A_346 : i32 to index
      %get3A_349 = tpu.vector_load %arg5[%get3A, %get3A_347, %get3A_348] {strides = array<i32>} : memref<8x8x128xi32, #tpu.memory_space<vmem>>, vector<16xi32>,
      %shift_right_arithmetic3A = arith.constant 7 : i32
      %shift_right_arithmetic3A_350 = vector.broadcast %shift_right_arithmetic3A : i32 to vector<16xi32>
      %shift_right_arithmetic3A_351 = arith.shrsi %get3A_349, %shift_right_arithmetic3A_350 : vector<16xi32>
      %shift_left3A = arith.constant 10 : i32
      %shift_left3A_352 = vector.broadcast %shift_left3A : i32 to vector<16xi32>
      %shift_left3A_353 = arith.shli %shift_right_arithmetic3A_351, %shift_left3A_352 : vector<16xi32>
      %and3A_354 = arith.constant 127 : i32
      %and3A_355 = vector.broadcast %and3A_354 : i32 to vector<16xi32>
      %and3A_356 = arith.andi %get3A_349, %and3A_355 : vector<16xi32>
      %add3A_357 = arith.addi %shift_left3A_353, %and3A_356 : vector<16xi32>
      %mul3A_358 = arith.constant 128 : i32
      %mul3A_359 = arith.muli %select_n3A_341, %mul3A_358 : i32
      %add3A_360 = arith.addi %mul3A_34, %mul3A_359 : i32
      %add3A_361 = vector.broadcast %add3A_360 : i32 to vector<16xi32>
      %add3A_362 = arith.addi %add3A_357, %add3A_361 : vector<16xi32>
      %mul3A_363 = arith.constant 16 : i32
      %mul3A_364 = arith.muli %scan3A_290, %mul3A_363 : i32
      %swap3A = arith.index_cast %mul3A_364 : i32 to index
      %swap3A_365 = tpu.vector_load %arg6[%swap3A] {strides = array<i32>} : memref<8192xi32, #tpu.memory_space<vmem>>, vector<16xi32>,
      tpu.vector_store %arg6[%swap3A], %add3A_362 {strides = array<i32>} : memref<8192xi32, #tpu.memory_space<vmem>>, vector<16xi32>,
    }
    %scan3A_68 = arith.constant 128 : i32
    %dma_start3A_69 = arith.constant 2048 : i32
    %dma_start3A_70 = tpu.memref_slice %arg7[%dma_start3A_69] : memref<8192xf32, #tpu.memory_space<vmem>> -> memref<2048xf32, #tpu.memory_space<vmem>>
    %dma_start3A_71 = arith.constant 2048 : i32
    %dma_start3A_72 = tpu.memref_slice %arg6[%dma_start3A_71] : memref<8192xi32, #tpu.memory_space<vmem>> -> memref<2048xi32, #tpu.memory_space<vmem>>
    %dma_start3A_73 = arith.constant 0 : i32
    %dma_start3A_74 = tpu.memref_slice %arg2[%dma_start3A_73] : memref<6291456xf32, #tpu.memory_space<hbm>> -> memref<2097152xf32, #tpu.memory_space<hbm>>
    %dma_start3A_75 = arith.constant 0 : i32
    %dma_start3A_76 = tpu.memref_slice %dma_start3A_74[%dma_start3A_75] : memref<2097152xf32, #tpu.memory_space<hbm>> -> memref<2097152xf32, #tpu.memory_space<hbm>>
    tpu.enqueue_indirect_dma source(%dma_start3A_76 : memref<2097152xf32, #tpu.memory_space<hbm>>) target(%dma_start3A_70 : memref<2048xf32, #tpu.memory_space<vmem>>) offsets(%dma_start3A_72 : memref<2048xi32, #tpu.memory_space<vmem>>) semaphore(%arg11 : memref<!tpu.dma_semaphore, #tpu.memory_space<semaphore_mem>>)
    %dma_start3A_77 = arith.constant 2048 : i32
    %dma_start3A_78 = tpu.memref_slice %arg8[%dma_start3A_77] : memref<8192xf32, #tpu.memory_space<vmem>> -> memref<2048xf32, #tpu.memory_space<vmem>>
    %dma_start3A_79 = arith.constant 2048 : i32
    %dma_start3A_80 = tpu.memref_slice %arg6[%dma_start3A_79] : memref<8192xi32, #tpu.memory_space<vmem>> -> memref<2048xi32, #tpu.memory_space<vmem>>
    %dma_start3A_81 = arith.constant 2097152 : i32
    %dma_start3A_82 = tpu.memref_slice %arg2[%dma_start3A_81] : memref<6291456xf32, #tpu.memory_space<hbm>> -> memref<2097152xf32, #tpu.memory_space<hbm>>
    %dma_start3A_83 = arith.constant 0 : i32
    %dma_start3A_84 = tpu.memref_slice %dma_start3A_82[%dma_start3A_83] : memref<2097152xf32, #tpu.memory_space<hbm>> -> memref<2097152xf32, #tpu.memory_space<hbm>>
    tpu.enqueue_indirect_dma source(%dma_start3A_84 : memref<2097152xf32, #tpu.memory_space<hbm>>) target(%dma_start3A_78 : memref<2048xf32, #tpu.memory_space<vmem>>) offsets(%dma_start3A_80 : memref<2048xi32, #tpu.memory_space<vmem>>) semaphore(%arg11 : memref<!tpu.dma_semaphore, #tpu.memory_space<semaphore_mem>>)
    %dma_start3A_85 = arith.constant 2048 : i32
    %dma_start3A_86 = tpu.memref_slice %arg9[%dma_start3A_85] : memref<8192xf32, #tpu.memory_space<vmem>> -> memref<2048xf32, #tpu.memory_space<vmem>>
    %dma_start3A_87 = arith.constant 2048 : i32
    %dma_start3A_88 = tpu.memref_slice %arg6[%dma_start3A_87] : memref<8192xi32, #tpu.memory_space<vmem>> -> memref<2048xi32, #tpu.memory_space<vmem>>
    %dma_start3A_89 = arith.constant 4194304 : i32
    %dma_start3A_90 = tpu.memref_slice %arg2[%dma_start3A_89] : memref<6291456xf32, #tpu.memory_space<hbm>> -> memref<2097152xf32, #tpu.memory_space<hbm>>
    %dma_start3A_91 = arith.constant 0 : i32
    %dma_start3A_92 = tpu.memref_slice %dma_start3A_90[%dma_start3A_91] : memref<2097152xf32, #tpu.memory_space<hbm>> -> memref<2097152xf32, #tpu.memory_space<hbm>>
    tpu.enqueue_indirect_dma source(%dma_start3A_92 : memref<2097152xf32, #tpu.memory_space<hbm>>) target(%dma_start3A_86 : memref<2048xf32, #tpu.memory_space<vmem>>) offsets(%dma_start3A_88 : memref<2048xi32, #tpu.memory_space<vmem>>) semaphore(%arg11 : memref<!tpu.dma_semaphore, #tpu.memory_space<semaphore_mem>>)
    %scan3A_93 = arith.constant 0 : i32
    %scan3A_94 = arith.constant 256 : i32
    %scan3A_95 = arith.constant 128 : i32
    %scan3A_96 = arith.addi %scan3A_94, %scan3A_95 : i32
    %scan3A_97 = arith.constant 1 : i32
    scf.for %scan3A_290 = %scan3A_94 to %scan3A_96 step %scan3A_97  : i32 {
      %jit3A_291 = arith.constant 64 : i32
      %div3A_292 = arith.divsi %scan3A_290, %jit3A_291 : i32
      %sign3A_293 = arith.constant 0 : i32
      %sign3A_294 = arith.cmpi sgt, %scan3A_290, %sign3A_293 : i32
      %sign3A_295 = arith.extui %sign3A_294 : i1 to i32
      %sign3A_296 = arith.constant 0 : i32
      %sign3A_297 = arith.cmpi slt, %scan3A_290, %sign3A_296 : i32
      %sign3A_298 = arith.extui %sign3A_297 : i1 to i32
      %sign3A_299 = arith.subi %sign3A_295, %sign3A_298 : i32
      %sign3A_300 = arith.constant 0 : i32
      %sign3A_301 = arith.cmpi sgt, %jit3A_291, %sign3A_300 : i32
      %sign3A_302 = arith.extui %sign3A_301 : i1 to i32
      %sign3A_303 = arith.constant 0 : i32
      %sign3A_304 = arith.cmpi slt, %jit3A_291, %sign3A_303 : i32
      %sign3A_305 = arith.extui %sign3A_304 : i1 to i32
      %sign3A_306 = arith.subi %sign3A_302, %sign3A_305 : i32
      %ne3A_307 = arith.cmpi ne, %sign3A_299, %sign3A_306 : i32
      %rem3A_308 = arith.remsi %scan3A_290, %jit3A_291 : i32
      %ne3A_309 = arith.constant 0 : i32
      %ne3A_310 = arith.cmpi ne, %rem3A_308, %ne3A_309 : i32
      %and3A_311 = arith.andi %ne3A_307, %ne3A_310 : i1
      %sub3A_312 = arith.constant 1 : i32
      %sub3A_313 = arith.subi %div3A_292, %sub3A_312 : i32
      %select_n3A_314 = arith.select %and3A_311, %sub3A_313, %div3A_292 : i32
      %mul3A_315 = arith.constant 64 : i32
      %mul3A_316 = arith.muli %select_n3A_314, %mul3A_315 : i32
      %sub3A_317 = arith.subi %scan3A_290, %mul3A_316 : i32
      %jit3A_318 = arith.constant 8 : i32
      %div3A_319 = arith.divsi %sub3A_317, %jit3A_318 : i32
      %sign3A_320 = arith.constant 0 : i32
      %sign3A_321 = arith.cmpi sgt, %sub3A_317, %sign3A_320 : i32
      %sign3A_322 = arith.extui %sign3A_321 : i1 to i32
      %sign3A_323 = arith.constant 0 : i32
      %sign3A_324 = arith.cmpi slt, %sub3A_317, %sign3A_323 : i32
      %sign3A_325 = arith.extui %sign3A_324 : i1 to i32
      %sign3A_326 = arith.subi %sign3A_322, %sign3A_325 : i32
      %sign3A_327 = arith.constant 0 : i32
      %sign3A_328 = arith.cmpi sgt, %jit3A_318, %sign3A_327 : i32
      %sign3A_329 = arith.extui %sign3A_328 : i1 to i32
      %sign3A_330 = arith.constant 0 : i32
      %sign3A_331 = arith.cmpi slt, %jit3A_318, %sign3A_330 : i32
      %sign3A_332 = arith.extui %sign3A_331 : i1 to i32
      %sign3A_333 = arith.subi %sign3A_329, %sign3A_332 : i32
      %ne3A_334 = arith.cmpi ne, %sign3A_326, %sign3A_333 : i32
      %rem3A_335 = arith.remsi %sub3A_317, %jit3A_318 : i32
      %ne3A_336 = arith.constant 0 : i32
      %ne3A_337 = arith.cmpi ne, %rem3A_335, %ne3A_336 : i32
      %and3A_338 = arith.andi %ne3A_334, %ne3A_337 : i1
      %sub3A_339 = arith.constant 1 : i32
      %sub3A_340 = arith.subi %div3A_319, %sub3A_339 : i32
      %select_n3A_341 = arith.select %and3A_338, %sub3A_340, %div3A_319 : i32
      %mul3A_342 = arith.constant 8 : i32
      %mul3A_343 = arith.muli %select_n3A_341, %mul3A_342 : i32
      %sub3A_344 = arith.subi %sub3A_317, %mul3A_343 : i32
      %mul3A_345 = arith.constant 16 : i32
      %mul3A_346 = arith.muli %sub3A_344, %mul3A_345 : i32
      %get3A = arith.index_cast %select_n3A_314 : i32 to index
      %get3A_347 = arith.index_cast %select_n3A_341 : i32 to index
      %get3A_348 = arith.index_cast %mul3A_346 : i32 to index
      %get3A_349 = tpu.vector_load %arg5[%get3A, %get3A_347, %get3A_348] {strides = array<i32>} : memref<8x8x128xi32, #tpu.memory_space<vmem>>, vector<16xi32>,
      %shift_right_arithmetic3A = arith.constant 7 : i32
      %shift_right_arithmetic3A_350 = vector.broadcast %shift_right_arithmetic3A : i32 to vector<16xi32>
      %shift_right_arithmetic3A_351 = arith.shrsi %get3A_349, %shift_right_arithmetic3A_350 : vector<16xi32>
      %shift_left3A = arith.constant 10 : i32
      %shift_left3A_352 = vector.broadcast %shift_left3A : i32 to vector<16xi32>
      %shift_left3A_353 = arith.shli %shift_right_arithmetic3A_351, %shift_left3A_352 : vector<16xi32>
      %and3A_354 = arith.constant 127 : i32
      %and3A_355 = vector.broadcast %and3A_354 : i32 to vector<16xi32>
      %and3A_356 = arith.andi %get3A_349, %and3A_355 : vector<16xi32>
      %add3A_357 = arith.addi %shift_left3A_353, %and3A_356 : vector<16xi32>
      %mul3A_358 = arith.constant 128 : i32
      %mul3A_359 = arith.muli %select_n3A_341, %mul3A_358 : i32
      %add3A_360 = arith.addi %mul3A_34, %mul3A_359 : i32
      %add3A_361 = vector.broadcast %add3A_360 : i32 to vector<16xi32>
      %add3A_362 = arith.addi %add3A_357, %add3A_361 : vector<16xi32>
      %mul3A_363 = arith.constant 16 : i32
      %mul3A_364 = arith.muli %scan3A_290, %mul3A_363 : i32
      %swap3A = arith.index_cast %mul3A_364 : i32 to index
      %swap3A_365 = tpu.vector_load %arg6[%swap3A] {strides = array<i32>} : memref<8192xi32, #tpu.memory_space<vmem>>, vector<16xi32>,
      tpu.vector_store %arg6[%swap3A], %add3A_362 {strides = array<i32>} : memref<8192xi32, #tpu.memory_space<vmem>>, vector<16xi32>,
    }
    %scan3A_98 = arith.constant 128 : i32
    %dma_start3A_99 = arith.constant 4096 : i32
    %dma_start3A_100 = tpu.memref_slice %arg7[%dma_start3A_99] : memref<8192xf32, #tpu.memory_space<vmem>> -> memref<2048xf32, #tpu.memory_space<vmem>>
    %dma_start3A_101 = arith.constant 4096 : i32
    %dma_start3A_102 = tpu.memref_slice %arg6[%dma_start3A_101] : memref<8192xi32, #tpu.memory_space<vmem>> -> memref<2048xi32, #tpu.memory_space<vmem>>
    %dma_start3A_103 = arith.constant 0 : i32
    %dma_start3A_104 = tpu.memref_slice %arg2[%dma_start3A_103] : memref<6291456xf32, #tpu.memory_space<hbm>> -> memref<2097152xf32, #tpu.memory_space<hbm>>
    %dma_start3A_105 = arith.constant 0 : i32
    %dma_start3A_106 = tpu.memref_slice %dma_start3A_104[%dma_start3A_105] : memref<2097152xf32, #tpu.memory_space<hbm>> -> memref<2097152xf32, #tpu.memory_space<hbm>>
    tpu.enqueue_indirect_dma source(%dma_start3A_106 : memref<2097152xf32, #tpu.memory_space<hbm>>) target(%dma_start3A_100 : memref<2048xf32, #tpu.memory_space<vmem>>) offsets(%dma_start3A_102 : memref<2048xi32, #tpu.memory_space<vmem>>) semaphore(%arg10 : memref<!tpu.dma_semaphore, #tpu.memory_space<semaphore_mem>>)
    %dma_start3A_107 = arith.constant 4096 : i32
    %dma_start3A_108 = tpu.memref_slice %arg8[%dma_start3A_107] : memref<8192xf32, #tpu.memory_space<vmem>> -> memref<2048xf32, #tpu.memory_space<vmem>>
    %dma_start3A_109 = arith.constant 4096 : i32
    %dma_start3A_110 = tpu.memref_slice %arg6[%dma_start3A_109] : memref<8192xi32, #tpu.memory_space<vmem>> -> memref<2048xi32, #tpu.memory_space<vmem>>
    %dma_start3A_111 = arith.constant 2097152 : i32
    %dma_start3A_112 = tpu.memref_slice %arg2[%dma_start3A_111] : memref<6291456xf32, #tpu.memory_space<hbm>> -> memref<2097152xf32, #tpu.memory_space<hbm>>
    %dma_start3A_113 = arith.constant 0 : i32
    %dma_start3A_114 = tpu.memref_slice %dma_start3A_112[%dma_start3A_113] : memref<2097152xf32, #tpu.memory_space<hbm>> -> memref<2097152xf32, #tpu.memory_space<hbm>>
    tpu.enqueue_indirect_dma source(%dma_start3A_114 : memref<2097152xf32, #tpu.memory_space<hbm>>) target(%dma_start3A_108 : memref<2048xf32, #tpu.memory_space<vmem>>) offsets(%dma_start3A_110 : memref<2048xi32, #tpu.memory_space<vmem>>) semaphore(%arg10 : memref<!tpu.dma_semaphore, #tpu.memory_space<semaphore_mem>>)
    %dma_start3A_115 = arith.constant 4096 : i32
    %dma_start3A_116 = tpu.memref_slice %arg9[%dma_start3A_115] : memref<8192xf32, #tpu.memory_space<vmem>> -> memref<2048xf32, #tpu.memory_space<vmem>>
    %dma_start3A_117 = arith.constant 4096 : i32
    %dma_start3A_118 = tpu.memref_slice %arg6[%dma_start3A_117] : memref<8192xi32, #tpu.memory_space<vmem>> -> memref<2048xi32, #tpu.memory_space<vmem>>
    %dma_start3A_119 = arith.constant 4194304 : i32
    %dma_start3A_120 = tpu.memref_slice %arg2[%dma_start3A_119] : memref<6291456xf32, #tpu.memory_space<hbm>> -> memref<2097152xf32, #tpu.memory_space<hbm>>
    %dma_start3A_121 = arith.constant 0 : i32
    %dma_start3A_122 = tpu.memref_slice %dma_start3A_120[%dma_start3A_121] : memref<2097152xf32, #tpu.memory_space<hbm>> -> memref<2097152xf32, #tpu.memory_space<hbm>>
    tpu.enqueue_indirect_dma source(%dma_start3A_122 : memref<2097152xf32, #tpu.memory_space<hbm>>) target(%dma_start3A_116 : memref<2048xf32, #tpu.memory_space<vmem>>) offsets(%dma_start3A_118 : memref<2048xi32, #tpu.memory_space<vmem>>) semaphore(%arg10 : memref<!tpu.dma_semaphore, #tpu.memory_space<semaphore_mem>>)
    %scan3A_123 = arith.constant 0 : i32
    %scan3A_124 = arith.constant 384 : i32
    %scan3A_125 = arith.constant 128 : i32
    %scan3A_126 = arith.addi %scan3A_124, %scan3A_125 : i32
    %scan3A_127 = arith.constant 1 : i32
    scf.for %scan3A_290 = %scan3A_124 to %scan3A_126 step %scan3A_127  : i32 {
      %jit3A_291 = arith.constant 64 : i32
      %div3A_292 = arith.divsi %scan3A_290, %jit3A_291 : i32
      %sign3A_293 = arith.constant 0 : i32
      %sign3A_294 = arith.cmpi sgt, %scan3A_290, %sign3A_293 : i32
      %sign3A_295 = arith.extui %sign3A_294 : i1 to i32
      %sign3A_296 = arith.constant 0 : i32
      %sign3A_297 = arith.cmpi slt, %scan3A_290, %sign3A_296 : i32
      %sign3A_298 = arith.extui %sign3A_297 : i1 to i32
      %sign3A_299 = arith.subi %sign3A_295, %sign3A_298 : i32
      %sign3A_300 = arith.constant 0 : i32
      %sign3A_301 = arith.cmpi sgt, %jit3A_291, %sign3A_300 : i32
      %sign3A_302 = arith.extui %sign3A_301 : i1 to i32
      %sign3A_303 = arith.constant 0 : i32
      %sign3A_304 = arith.cmpi slt, %jit3A_291, %sign3A_303 : i32
      %sign3A_305 = arith.extui %sign3A_304 : i1 to i32
      %sign3A_306 = arith.subi %sign3A_302, %sign3A_305 : i32
      %ne3A_307 = arith.cmpi ne, %sign3A_299, %sign3A_306 : i32
      %rem3A_308 = arith.remsi %scan3A_290, %jit3A_291 : i32
      %ne3A_309 = arith.constant 0 : i32
      %ne3A_310 = arith.cmpi ne, %rem3A_308, %ne3A_309 : i32
      %and3A_311 = arith.andi %ne3A_307, %ne3A_310 : i1
      %sub3A_312 = arith.constant 1 : i32
      %sub3A_313 = arith.subi %div3A_292, %sub3A_312 : i32
      %select_n3A_314 = arith.select %and3A_311, %sub3A_313, %div3A_292 : i32
      %mul3A_315 = arith.constant 64 : i32
      %mul3A_316 = arith.muli %select_n3A_314, %mul3A_315 : i32
      %sub3A_317 = arith.subi %scan3A_290, %mul3A_316 : i32
      %jit3A_318 = arith.constant 8 : i32
      %div3A_319 = arith.divsi %sub3A_317, %jit3A_318 : i32
      %sign3A_320 = arith.constant 0 : i32
      %sign3A_321 = arith.cmpi sgt, %sub3A_317, %sign3A_320 : i32
      %sign3A_322 = arith.extui %sign3A_321 : i1 to i32
      %sign3A_323 = arith.constant 0 : i32
      %sign3A_324 = arith.cmpi slt, %sub3A_317, %sign3A_323 : i32
      %sign3A_325 = arith.extui %sign3A_324 : i1 to i32
      %sign3A_326 = arith.subi %sign3A_322, %sign3A_325 : i32
      %sign3A_327 = arith.constant 0 : i32
      %sign3A_328 = arith.cmpi sgt, %jit3A_318, %sign3A_327 : i32
      %sign3A_329 = arith.extui %sign3A_328 : i1 to i32
      %sign3A_330 = arith.constant 0 : i32
      %sign3A_331 = arith.cmpi slt, %jit3A_318, %sign3A_330 : i32
      %sign3A_332 = arith.extui %sign3A_331 : i1 to i32
      %sign3A_333 = arith.subi %sign3A_329, %sign3A_332 : i32
      %ne3A_334 = arith.cmpi ne, %sign3A_326, %sign3A_333 : i32
      %rem3A_335 = arith.remsi %sub3A_317, %jit3A_318 : i32
      %ne3A_336 = arith.constant 0 : i32
      %ne3A_337 = arith.cmpi ne, %rem3A_335, %ne3A_336 : i32
      %and3A_338 = arith.andi %ne3A_334, %ne3A_337 : i1
      %sub3A_339 = arith.constant 1 : i32
      %sub3A_340 = arith.subi %div3A_319, %sub3A_339 : i32
      %select_n3A_341 = arith.select %and3A_338, %sub3A_340, %div3A_319 : i32
      %mul3A_342 = arith.constant 8 : i32
      %mul3A_343 = arith.muli %select_n3A_341, %mul3A_342 : i32
      %sub3A_344 = arith.subi %sub3A_317, %mul3A_343 : i32
      %mul3A_345 = arith.constant 16 : i32
      %mul3A_346 = arith.muli %sub3A_344, %mul3A_345 : i32
      %get3A = arith.index_cast %select_n3A_314 : i32 to index
      %get3A_347 = arith.index_cast %select_n3A_341 : i32 to index
      %get3A_348 = arith.index_cast %mul3A_346 : i32 to index
      %get3A_349 = tpu.vector_load %arg5[%get3A, %get3A_347, %get3A_348] {strides = array<i32>} : memref<8x8x128xi32, #tpu.memory_space<vmem>>, vector<16xi32>,
      %shift_right_arithmetic3A = arith.constant 7 : i32
      %shift_right_arithmetic3A_350 = vector.broadcast %shift_right_arithmetic3A : i32 to vector<16xi32>
      %shift_right_arithmetic3A_351 = arith.shrsi %get3A_349, %shift_right_arithmetic3A_350 : vector<16xi32>
      %shift_left3A = arith.constant 10 : i32
      %shift_left3A_352 = vector.broadcast %shift_left3A : i32 to vector<16xi32>
      %shift_left3A_353 = arith.shli %shift_right_arithmetic3A_351, %shift_left3A_352 : vector<16xi32>
      %and3A_354 = arith.constant 127 : i32
      %and3A_355 = vector.broadcast %and3A_354 : i32 to vector<16xi32>
      %and3A_356 = arith.andi %get3A_349, %and3A_355 : vector<16xi32>
      %add3A_357 = arith.addi %shift_left3A_353, %and3A_356 : vector<16xi32>
      %mul3A_358 = arith.constant 128 : i32
      %mul3A_359 = arith.muli %select_n3A_341, %mul3A_358 : i32
      %add3A_360 = arith.addi %mul3A_34, %mul3A_359 : i32
      %add3A_361 = vector.broadcast %add3A_360 : i32 to vector<16xi32>
      %add3A_362 = arith.addi %add3A_357, %add3A_361 : vector<16xi32>
      %mul3A_363 = arith.constant 16 : i32
      %mul3A_364 = arith.muli %scan3A_290, %mul3A_363 : i32
      %swap3A = arith.index_cast %mul3A_364 : i32 to index
      %swap3A_365 = tpu.vector_load %arg6[%swap3A] {strides = array<i32>} : memref<8192xi32, #tpu.memory_space<vmem>>, vector<16xi32>,
      tpu.vector_store %arg6[%swap3A], %add3A_362 {strides = array<i32>} : memref<8192xi32, #tpu.memory_space<vmem>>, vector<16xi32>,
    }
    %scan3A_128 = arith.constant 128 : i32
    %dma_start3A_129 = arith.constant 6144 : i32
    %dma_start3A_130 = tpu.memref_slice %arg7[%dma_start3A_129] : memref<8192xf32, #tpu.memory_space<vmem>> -> memref<2048xf32, #tpu.memory_space<vmem>>
    %dma_start3A_131 = arith.constant 6144 : i32
    %dma_start3A_132 = tpu.memref_slice %arg6[%dma_start3A_131] : memref<8192xi32, #tpu.memory_space<vmem>> -> memref<2048xi32, #tpu.memory_space<vmem>>
    %dma_start3A_133 = arith.constant 0 : i32
    %dma_start3A_134 = tpu.memref_slice %arg2[%dma_start3A_133] : memref<6291456xf32, #tpu.memory_space<hbm>> -> memref<2097152xf32, #tpu.memory_space<hbm>>
    %dma_start3A_135 = arith.constant 0 : i32
    %dma_start3A_136 = tpu.memref_slice %dma_start3A_134[%dma_start3A_135] : memref<2097152xf32, #tpu.memory_space<hbm>> -> memref<2097152xf32, #tpu.memory_space<hbm>>
    tpu.enqueue_indirect_dma source(%dma_start3A_136 : memref<2097152xf32, #tpu.memory_space<hbm>>) target(%dma_start3A_130 : memref<2048xf32, #tpu.memory_space<vmem>>) offsets(%dma_start3A_132 : memref<2048xi32, #tpu.memory_space<vmem>>) semaphore(%arg11 : memref<!tpu.dma_semaphore, #tpu.memory_space<semaphore_mem>>)
    %dma_start3A_137 = arith.constant 6144 : i32
    %dma_start3A_138 = tpu.memref_slice %arg8[%dma_start3A_137] : memref<8192xf32, #tpu.memory_space<vmem>> -> memref<2048xf32, #tpu.memory_space<vmem>>
    %dma_start3A_139 = arith.constant 6144 : i32
    %dma_start3A_140 = tpu.memref_slice %arg6[%dma_start3A_139] : memref<8192xi32, #tpu.memory_space<vmem>> -> memref<2048xi32, #tpu.memory_space<vmem>>
    %dma_start3A_141 = arith.constant 2097152 : i32
    %dma_start3A_142 = tpu.memref_slice %arg2[%dma_start3A_141] : memref<6291456xf32, #tpu.memory_space<hbm>> -> memref<2097152xf32, #tpu.memory_space<hbm>>
    %dma_start3A_143 = arith.constant 0 : i32
    %dma_start3A_144 = tpu.memref_slice %dma_start3A_142[%dma_start3A_143] : memref<2097152xf32, #tpu.memory_space<hbm>> -> memref<2097152xf32, #tpu.memory_space<hbm>>
    tpu.enqueue_indirect_dma source(%dma_start3A_144 : memref<2097152xf32, #tpu.memory_space<hbm>>) target(%dma_start3A_138 : memref<2048xf32, #tpu.memory_space<vmem>>) offsets(%dma_start3A_140 : memref<2048xi32, #tpu.memory_space<vmem>>) semaphore(%arg11 : memref<!tpu.dma_semaphore, #tpu.memory_space<semaphore_mem>>)
    %dma_start3A_145 = arith.constant 6144 : i32
    %dma_start3A_146 = tpu.memref_slice %arg9[%dma_start3A_145] : memref<8192xf32, #tpu.memory_space<vmem>> -> memref<2048xf32, #tpu.memory_space<vmem>>
    %dma_start3A_147 = arith.constant 6144 : i32
    %dma_start3A_148 = tpu.memref_slice %arg6[%dma_start3A_147] : memref<8192xi32, #tpu.memory_space<vmem>> -> memref<2048xi32, #tpu.memory_space<vmem>>
    %dma_start3A_149 = arith.constant 4194304 : i32
    %dma_start3A_150 = tpu.memref_slice %arg2[%dma_start3A_149] : memref<6291456xf32, #tpu.memory_space<hbm>> -> memref<2097152xf32, #tpu.memory_space<hbm>>
    %dma_start3A_151 = arith.constant 0 : i32
    %dma_start3A_152 = tpu.memref_slice %dma_start3A_150[%dma_start3A_151] : memref<2097152xf32, #tpu.memory_space<hbm>> -> memref<2097152xf32, #tpu.memory_space<hbm>>
    tpu.enqueue_indirect_dma source(%dma_start3A_152 : memref<2097152xf32, #tpu.memory_space<hbm>>) target(%dma_start3A_146 : memref<2048xf32, #tpu.memory_space<vmem>>) offsets(%dma_start3A_148 : memref<2048xi32, #tpu.memory_space<vmem>>) semaphore(%arg11 : memref<!tpu.dma_semaphore, #tpu.memory_space<semaphore_mem>>)
    %dma_wait3A = arith.constant 0 : i32
    %dma_wait3A_153 = tpu.memref_slice %arg7[%dma_wait3A] : memref<8192xf32, #tpu.memory_space<vmem>> -> memref<2048xf32, #tpu.memory_space<vmem>>
    %dma_wait3A_154 = arith.constant 0 : i32
    %dma_wait3A_155 = tpu.memref_slice %arg6[%dma_wait3A_154] : memref<8192xi32, #tpu.memory_space<vmem>> -> memref<2048xi32, #tpu.memory_space<vmem>>
    %dma_wait3A_156 = arith.constant 0 : i32
    %dma_wait3A_157 = tpu.memref_slice %arg2[%dma_wait3A_156] : memref<6291456xf32, #tpu.memory_space<hbm>> -> memref<2097152xf32, #tpu.memory_space<hbm>>
    %dma_wait3A_158 = arith.constant 0 : i32
    %dma_wait3A_159 = tpu.memref_slice %dma_wait3A_157[%dma_wait3A_158] : memref<2097152xf32, #tpu.memory_space<hbm>> -> memref<2097152xf32, #tpu.memory_space<hbm>>
    tpu.wait_indirect_dma semaphore(%arg10 : memref<!tpu.dma_semaphore, #tpu.memory_space<semaphore_mem>>) src(%dma_wait3A_159 : memref<2097152xf32, #tpu.memory_space<hbm>>) dst(%dma_wait3A_153 : memref<2048xf32, #tpu.memory_space<vmem>>)
    %dma_wait3A_160 = arith.constant 0 : i32
    %dma_wait3A_161 = tpu.memref_slice %arg8[%dma_wait3A_160] : memref<8192xf32, #tpu.memory_space<vmem>> -> memref<2048xf32, #tpu.memory_space<vmem>>
    %dma_wait3A_162 = arith.constant 0 : i32
    %dma_wait3A_163 = tpu.memref_slice %arg6[%dma_wait3A_162] : memref<8192xi32, #tpu.memory_space<vmem>> -> memref<2048xi32, #tpu.memory_space<vmem>>
    %dma_wait3A_164 = arith.constant 2097152 : i32
    %dma_wait3A_165 = tpu.memref_slice %arg2[%dma_wait3A_164] : memref<6291456xf32, #tpu.memory_space<hbm>> -> memref<2097152xf32, #tpu.memory_space<hbm>>
    %dma_wait3A_166 = arith.constant 0 : i32
    %dma_wait3A_167 = tpu.memref_slice %dma_wait3A_165[%dma_wait3A_166] : memref<2097152xf32, #tpu.memory_space<hbm>> -> memref<2097152xf32, #tpu.memory_space<hbm>>
    tpu.wait_indirect_dma semaphore(%arg10 : memref<!tpu.dma_semaphore, #tpu.memory_space<semaphore_mem>>) src(%dma_wait3A_167 : memref<2097152xf32, #tpu.memory_space<hbm>>) dst(%dma_wait3A_161 : memref<2048xf32, #tpu.memory_space<vmem>>)
    %dma_wait3A_168 = arith.constant 0 : i32
    %dma_wait3A_169 = tpu.memref_slice %arg9[%dma_wait3A_168] : memref<8192xf32, #tpu.memory_space<vmem>> -> memref<2048xf32, #tpu.memory_space<vmem>>
    %dma_wait3A_170 = arith.constant 0 : i32
    %dma_wait3A_171 = tpu.memref_slice %arg6[%dma_wait3A_170] : memref<8192xi32, #tpu.memory_space<vmem>> -> memref<2048xi32, #tpu.memory_space<vmem>>
    %dma_wait3A_172 = arith.constant 4194304 : i32
    %dma_wait3A_173 = tpu.memref_slice %arg2[%dma_wait3A_172] : memref<6291456xf32, #tpu.memory_space<hbm>> -> memref<2097152xf32, #tpu.memory_space<hbm>>
    %dma_wait3A_174 = arith.constant 0 : i32
    %dma_wait3A_175 = tpu.memref_slice %dma_wait3A_173[%dma_wait3A_174] : memref<2097152xf32, #tpu.memory_space<hbm>> -> memref<2097152xf32, #tpu.memory_space<hbm>>
    tpu.wait_indirect_dma semaphore(%arg10 : memref<!tpu.dma_semaphore, #tpu.memory_space<semaphore_mem>>) src(%dma_wait3A_175 : memref<2097152xf32, #tpu.memory_space<hbm>>) dst(%dma_wait3A_169 : memref<2048xf32, #tpu.memory_space<vmem>>)
    %dma_wait3A_176 = arith.constant 2048 : i32
    %dma_wait3A_177 = tpu.memref_slice %arg7[%dma_wait3A_176] : memref<8192xf32, #tpu.memory_space<vmem>> -> memref<2048xf32, #tpu.memory_space<vmem>>
    %dma_wait3A_178 = arith.constant 2048 : i32
    %dma_wait3A_179 = tpu.memref_slice %arg6[%dma_wait3A_178] : memref<8192xi32, #tpu.memory_space<vmem>> -> memref<2048xi32, #tpu.memory_space<vmem>>
    %dma_wait3A_180 = arith.constant 0 : i32
    %dma_wait3A_181 = tpu.memref_slice %arg2[%dma_wait3A_180] : memref<6291456xf32, #tpu.memory_space<hbm>> -> memref<2097152xf32, #tpu.memory_space<hbm>>
    %dma_wait3A_182 = arith.constant 0 : i32
    %dma_wait3A_183 = tpu.memref_slice %dma_wait3A_181[%dma_wait3A_182] : memref<2097152xf32, #tpu.memory_space<hbm>> -> memref<2097152xf32, #tpu.memory_space<hbm>>
    tpu.wait_indirect_dma semaphore(%arg11 : memref<!tpu.dma_semaphore, #tpu.memory_space<semaphore_mem>>) src(%dma_wait3A_183 : memref<2097152xf32, #tpu.memory_space<hbm>>) dst(%dma_wait3A_177 : memref<2048xf32, #tpu.memory_space<vmem>>)
    %dma_wait3A_184 = arith.constant 2048 : i32
    %dma_wait3A_185 = tpu.memref_slice %arg8[%dma_wait3A_184] : memref<8192xf32, #tpu.memory_space<vmem>> -> memref<2048xf32, #tpu.memory_space<vmem>>
    %dma_wait3A_186 = arith.constant 2048 : i32
    %dma_wait3A_187 = tpu.memref_slice %arg6[%dma_wait3A_186] : memref<8192xi32, #tpu.memory_space<vmem>> -> memref<2048xi32, #tpu.memory_space<vmem>>
    %dma_wait3A_188 = arith.constant 2097152 : i32
    %dma_wait3A_189 = tpu.memref_slice %arg2[%dma_wait3A_188] : memref<6291456xf32, #tpu.memory_space<hbm>> -> memref<2097152xf32, #tpu.memory_space<hbm>>
    %dma_wait3A_190 = arith.constant 0 : i32
    %dma_wait3A_191 = tpu.memref_slice %dma_wait3A_189[%dma_wait3A_190] : memref<2097152xf32, #tpu.memory_space<hbm>> -> memref<2097152xf32, #tpu.memory_space<hbm>>
    tpu.wait_indirect_dma semaphore(%arg11 : memref<!tpu.dma_semaphore, #tpu.memory_space<semaphore_mem>>) src(%dma_wait3A_191 : memref<2097152xf32, #tpu.memory_space<hbm>>) dst(%dma_wait3A_185 : memref<2048xf32, #tpu.memory_space<vmem>>)
    %dma_wait3A_192 = arith.constant 2048 : i32
    %dma_wait3A_193 = tpu.memref_slice %arg9[%dma_wait3A_192] : memref<8192xf32, #tpu.memory_space<vmem>> -> memref<2048xf32, #tpu.memory_space<vmem>>
    %dma_wait3A_194 = arith.constant 2048 : i32
    %dma_wait3A_195 = tpu.memref_slice %arg6[%dma_wait3A_194] : memref<8192xi32, #tpu.memory_space<vmem>> -> memref<2048xi32, #tpu.memory_space<vmem>>
    %dma_wait3A_196 = arith.constant 4194304 : i32
    %dma_wait3A_197 = tpu.memref_slice %arg2[%dma_wait3A_196] : memref<6291456xf32, #tpu.memory_space<hbm>> -> memref<2097152xf32, #tpu.memory_space<hbm>>
    %dma_wait3A_198 = arith.constant 0 : i32
    %dma_wait3A_199 = tpu.memref_slice %dma_wait3A_197[%dma_wait3A_198] : memref<2097152xf32, #tpu.memory_space<hbm>> -> memref<2097152xf32, #tpu.memory_space<hbm>>
    tpu.wait_indirect_dma semaphore(%arg11 : memref<!tpu.dma_semaphore, #tpu.memory_space<semaphore_mem>>) src(%dma_wait3A_199 : memref<2097152xf32, #tpu.memory_space<hbm>>) dst(%dma_wait3A_193 : memref<2048xf32, #tpu.memory_space<vmem>>)
    %dma_wait3A_200 = arith.constant 4096 : i32
    %dma_wait3A_201 = tpu.memref_slice %arg7[%dma_wait3A_200] : memref<8192xf32, #tpu.memory_space<vmem>> -> memref<2048xf32, #tpu.memory_space<vmem>>
    %dma_wait3A_202 = arith.constant 4096 : i32
    %dma_wait3A_203 = tpu.memref_slice %arg6[%dma_wait3A_202] : memref<8192xi32, #tpu.memory_space<vmem>> -> memref<2048xi32, #tpu.memory_space<vmem>>
    %dma_wait3A_204 = arith.constant 0 : i32
    %dma_wait3A_205 = tpu.memref_slice %arg2[%dma_wait3A_204] : memref<6291456xf32, #tpu.memory_space<hbm>> -> memref<2097152xf32, #tpu.memory_space<hbm>>
    %dma_wait3A_206 = arith.constant 0 : i32
    %dma_wait3A_207 = tpu.memref_slice %dma_wait3A_205[%dma_wait3A_206] : memref<2097152xf32, #tpu.memory_space<hbm>> -> memref<2097152xf32, #tpu.memory_space<hbm>>
    tpu.wait_indirect_dma semaphore(%arg10 : memref<!tpu.dma_semaphore, #tpu.memory_space<semaphore_mem>>) src(%dma_wait3A_207 : memref<2097152xf32, #tpu.memory_space<hbm>>) dst(%dma_wait3A_201 : memref<2048xf32, #tpu.memory_space<vmem>>)
    %dma_wait3A_208 = arith.constant 4096 : i32
    %dma_wait3A_209 = tpu.memref_slice %arg8[%dma_wait3A_208] : memref<8192xf32, #tpu.memory_space<vmem>> -> memref<2048xf32, #tpu.memory_space<vmem>>
    %dma_wait3A_210 = arith.constant 4096 : i32
    %dma_wait3A_211 = tpu.memref_slice %arg6[%dma_wait3A_210] : memref<8192xi32, #tpu.memory_space<vmem>> -> memref<2048xi32, #tpu.memory_space<vmem>>
    %dma_wait3A_212 = arith.constant 2097152 : i32
    %dma_wait3A_213 = tpu.memref_slice %arg2[%dma_wait3A_212] : memref<6291456xf32, #tpu.memory_space<hbm>> -> memref<2097152xf32, #tpu.memory_space<hbm>>
    %dma_wait3A_214 = arith.constant 0 : i32
    %dma_wait3A_215 = tpu.memref_slice %dma_wait3A_213[%dma_wait3A_214] : memref<2097152xf32, #tpu.memory_space<hbm>> -> memref<2097152xf32, #tpu.memory_space<hbm>>
    tpu.wait_indirect_dma semaphore(%arg10 : memref<!tpu.dma_semaphore, #tpu.memory_space<semaphore_mem>>) src(%dma_wait3A_215 : memref<2097152xf32, #tpu.memory_space<hbm>>) dst(%dma_wait3A_209 : memref<2048xf32, #tpu.memory_space<vmem>>)
    %dma_wait3A_216 = arith.constant 4096 : i32
    %dma_wait3A_217 = tpu.memref_slice %arg9[%dma_wait3A_216] : memref<8192xf32, #tpu.memory_space<vmem>> -> memref<2048xf32, #tpu.memory_space<vmem>>
    %dma_wait3A_218 = arith.constant 4096 : i32
    %dma_wait3A_219 = tpu.memref_slice %arg6[%dma_wait3A_218] : memref<8192xi32, #tpu.memory_space<vmem>> -> memref<2048xi32, #tpu.memory_space<vmem>>
    %dma_wait3A_220 = arith.constant 4194304 : i32
    %dma_wait3A_221 = tpu.memref_slice %arg2[%dma_wait3A_220] : memref<6291456xf32, #tpu.memory_space<hbm>> -> memref<2097152xf32, #tpu.memory_space<hbm>>
    %dma_wait3A_222 = arith.constant 0 : i32
    %dma_wait3A_223 = tpu.memref_slice %dma_wait3A_221[%dma_wait3A_222] : memref<2097152xf32, #tpu.memory_space<hbm>> -> memref<2097152xf32, #tpu.memory_space<hbm>>
    tpu.wait_indirect_dma semaphore(%arg10 : memref<!tpu.dma_semaphore, #tpu.memory_space<semaphore_mem>>) src(%dma_wait3A_223 : memref<2097152xf32, #tpu.memory_space<hbm>>) dst(%dma_wait3A_217 : memref<2048xf32, #tpu.memory_space<vmem>>)
    %dma_wait3A_224 = arith.constant 6144 : i32
    %dma_wait3A_225 = tpu.memref_slice %arg7[%dma_wait3A_224] : memref<8192xf32, #tpu.memory_space<vmem>> -> memref<2048xf32, #tpu.memory_space<vmem>>
    %dma_wait3A_226 = arith.constant 6144 : i32
    %dma_wait3A_227 = tpu.memref_slice %arg6[%dma_wait3A_226] : memref<8192xi32, #tpu.memory_space<vmem>> -> memref<2048xi32, #tpu.memory_space<vmem>>
    %dma_wait3A_228 = arith.constant 0 : i32
    %dma_wait3A_229 = tpu.memref_slice %arg2[%dma_wait3A_228] : memref<6291456xf32, #tpu.memory_space<hbm>> -> memref<2097152xf32, #tpu.memory_space<hbm>>
    %dma_wait3A_230 = arith.constant 0 : i32
    %dma_wait3A_231 = tpu.memref_slice %dma_wait3A_229[%dma_wait3A_230] : memref<2097152xf32, #tpu.memory_space<hbm>> -> memref<2097152xf32, #tpu.memory_space<hbm>>
    tpu.wait_indirect_dma semaphore(%arg11 : memref<!tpu.dma_semaphore, #tpu.memory_space<semaphore_mem>>) src(%dma_wait3A_231 : memref<2097152xf32, #tpu.memory_space<hbm>>) dst(%dma_wait3A_225 : memref<2048xf32, #tpu.memory_space<vmem>>)
    %dma_wait3A_232 = arith.constant 6144 : i32
    %dma_wait3A_233 = tpu.memref_slice %arg8[%dma_wait3A_232] : memref<8192xf32, #tpu.memory_space<vmem>> -> memref<2048xf32, #tpu.memory_space<vmem>>
    %dma_wait3A_234 = arith.constant 6144 : i32
    %dma_wait3A_235 = tpu.memref_slice %arg6[%dma_wait3A_234] : memref<8192xi32, #tpu.memory_space<vmem>> -> memref<2048xi32, #tpu.memory_space<vmem>>
    %dma_wait3A_236 = arith.constant 2097152 : i32
    %dma_wait3A_237 = tpu.memref_slice %arg2[%dma_wait3A_236] : memref<6291456xf32, #tpu.memory_space<hbm>> -> memref<2097152xf32, #tpu.memory_space<hbm>>
    %dma_wait3A_238 = arith.constant 0 : i32
    %dma_wait3A_239 = tpu.memref_slice %dma_wait3A_237[%dma_wait3A_238] : memref<2097152xf32, #tpu.memory_space<hbm>> -> memref<2097152xf32, #tpu.memory_space<hbm>>
    tpu.wait_indirect_dma semaphore(%arg11 : memref<!tpu.dma_semaphore, #tpu.memory_space<semaphore_mem>>) src(%dma_wait3A_239 : memref<2097152xf32, #tpu.memory_space<hbm>>) dst(%dma_wait3A_233 : memref<2048xf32, #tpu.memory_space<vmem>>)
    %dma_wait3A_240 = arith.constant 6144 : i32
    %dma_wait3A_241 = tpu.memref_slice %arg9[%dma_wait3A_240] : memref<8192xf32, #tpu.memory_space<vmem>> -> memref<2048xf32, #tpu.memory_space<vmem>>
    %dma_wait3A_242 = arith.constant 6144 : i32
    %dma_wait3A_243 = tpu.memref_slice %arg6[%dma_wait3A_242] : memref<8192xi32, #tpu.memory_space<vmem>> -> memref<2048xi32, #tpu.memory_space<vmem>>
    %dma_wait3A_244 = arith.constant 4194304 : i32
    %dma_wait3A_245 = tpu.memref_slice %arg2[%dma_wait3A_244] : memref<6291456xf32, #tpu.memory_space<hbm>> -> memref<2097152xf32, #tpu.memory_space<hbm>>
    %dma_wait3A_246 = arith.constant 0 : i32
    %dma_wait3A_247 = tpu.memref_slice %dma_wait3A_245[%dma_wait3A_246] : memref<2097152xf32, #tpu.memory_space<hbm>> -> memref<2097152xf32, #tpu.memory_space<hbm>>
    tpu.wait_indirect_dma semaphore(%arg11 : memref<!tpu.dma_semaphore, #tpu.memory_space<semaphore_mem>>) src(%dma_wait3A_247 : memref<2097152xf32, #tpu.memory_space<hbm>>) dst(%dma_wait3A_241 : memref<2048xf32, #tpu.memory_space<vmem>>)
    %dma_start3A_248 = arith.constant 0 : i32
    %dma_start3A_249 = arith.constant 0 : i32
    %dma_start3A_250 = tpu.memref_slice %arg4[%dma_start3A_248, %select_n3A, %select_n3A_30, %dma_start3A_249] : memref<3x2x16x8192xf32, #tpu.memory_space<hbm>> -> memref<1x1x1x8192xf32, #tpu.memory_space<hbm>>
    %dma_start3A_251 = tpu.memref_squeeze %dma_start3A_250 : memref<1x1x1x8192xf32, #tpu.memory_space<hbm>> -> memref<8192xf32, #tpu.memory_space<hbm>>
    %dma_start3A_252 = arith.constant 0 : i32
    %dma_start3A_253 = tpu.memref_slice %arg4[%dma_start3A_248, %select_n3A, %select_n3A_30, %dma_start3A_252] : memref<3x2x16x8192xf32, #tpu.memory_space<hbm>> -> memref<1x1x1x8192xf32, #tpu.memory_space<hbm>>
    %dma_start3A_254 = tpu.memref_squeeze %dma_start3A_253 : memref<1x1x1x8192xf32, #tpu.memory_space<hbm>> -> memref<8192xf32, #tpu.memory_space<hbm>>
    tpu.enqueue_dma source(%arg7 : memref<8192xf32, #tpu.memory_space<vmem>>) target(%dma_start3A_254 : memref<8192xf32, #tpu.memory_space<hbm>>) target_semaphore(%arg12 : memref<!tpu.dma_semaphore, #tpu.memory_space<semaphore_mem>>)
    %dma_start3A_255 = arith.constant 1 : i32
    %dma_start3A_256 = arith.constant 0 : i32
    %dma_start3A_257 = tpu.memref_slice %arg4[%dma_start3A_255, %select_n3A, %select_n3A_30, %dma_start3A_256] : memref<3x2x16x8192xf32, #tpu.memory_space<hbm>> -> memref<1x1x1x8192xf32, #tpu.memory_space<hbm>>
    %dma_start3A_258 = tpu.memref_squeeze %dma_start3A_257 : memref<1x1x1x8192xf32, #tpu.memory_space<hbm>> -> memref<8192xf32, #tpu.memory_space<hbm>>
    %dma_start3A_259 = arith.constant 0 : i32
    %dma_start3A_260 = tpu.memref_slice %arg4[%dma_start3A_255, %select_n3A, %select_n3A_30, %dma_start3A_259] : memref<3x2x16x8192xf32, #tpu.memory_space<hbm>> -> memref<1x1x1x8192xf32, #tpu.memory_space<hbm>>
    %dma_start3A_261 = tpu.memref_squeeze %dma_start3A_260 : memref<1x1x1x8192xf32, #tpu.memory_space<hbm>> -> memref<8192xf32, #tpu.memory_space<hbm>>
    tpu.enqueue_dma source(%arg8 : memref<8192xf32, #tpu.memory_space<vmem>>) target(%dma_start3A_261 : memref<8192xf32, #tpu.memory_space<hbm>>) target_semaphore(%arg12 : memref<!tpu.dma_semaphore, #tpu.memory_space<semaphore_mem>>)
    %dma_start3A_262 = arith.constant 2 : i32
    %dma_start3A_263 = arith.constant 0 : i32
    %dma_start3A_264 = tpu.memref_slice %arg4[%dma_start3A_262, %select_n3A, %select_n3A_30, %dma_start3A_263] : memref<3x2x16x8192xf32, #tpu.memory_space<hbm>> -> memref<1x1x1x8192xf32, #tpu.memory_space<hbm>>
    %dma_start3A_265 = tpu.memref_squeeze %dma_start3A_264 : memref<1x1x1x8192xf32, #tpu.memory_space<hbm>> -> memref<8192xf32, #tpu.memory_space<hbm>>
    %dma_start3A_266 = arith.constant 0 : i32
    %dma_start3A_267 = tpu.memref_slice %arg4[%dma_start3A_262, %select_n3A, %select_n3A_30, %dma_start3A_266] : memref<3x2x16x8192xf32, #tpu.memory_space<hbm>> -> memref<1x1x1x8192xf32, #tpu.memory_space<hbm>>
    %dma_start3A_268 = tpu.memref_squeeze %dma_start3A_267 : memref<1x1x1x8192xf32, #tpu.memory_space<hbm>> -> memref<8192xf32, #tpu.memory_space<hbm>>
    tpu.enqueue_dma source(%arg9 : memref<8192xf32, #tpu.memory_space<vmem>>) target(%dma_start3A_268 : memref<8192xf32, #tpu.memory_space<hbm>>) target_semaphore(%arg12 : memref<!tpu.dma_semaphore, #tpu.memory_space<semaphore_mem>>)
    %dma_wait3A_269 = arith.constant 0 : i32
    %dma_wait3A_270 = arith.constant 0 : i32
    %dma_wait3A_271 = tpu.memref_slice %arg4[%dma_wait3A_269, %select_n3A, %select_n3A_30, %dma_wait3A_270] : memref<3x2x16x8192xf32, #tpu.memory_space<hbm>> -> memref<1x1x1x8192xf32, #tpu.memory_space<hbm>>
    %dma_wait3A_272 = tpu.memref_squeeze %dma_wait3A_271 : memref<1x1x1x8192xf32, #tpu.memory_space<hbm>> -> memref<8192xf32, #tpu.memory_space<hbm>>
    %dma_wait3A_273 = arith.constant 0 : i32
    %dma_wait3A_274 = tpu.memref_slice %arg4[%dma_wait3A_269, %select_n3A, %select_n3A_30, %dma_wait3A_273] : memref<3x2x16x8192xf32, #tpu.memory_space<hbm>> -> memref<1x1x1x8192xf32, #tpu.memory_space<hbm>>
    %dma_wait3A_275 = tpu.memref_squeeze %dma_wait3A_274 : memref<1x1x1x8192xf32, #tpu.memory_space<hbm>> -> memref<8192xf32, #tpu.memory_space<hbm>>
    tpu.wait_dma2 semaphore(%arg12 : memref<!tpu.dma_semaphore, #tpu.memory_space<semaphore_mem>>) src(%arg7 : memref<8192xf32, #tpu.memory_space<vmem>>) dst(%dma_wait3A_275 : memref<8192xf32, #tpu.memory_space<hbm>>)
    %dma_wait3A_276 = arith.constant 1 : i32
    %dma_wait3A_277 = arith.constant 0 : i32
    %dma_wait3A_278 = tpu.memref_slice %arg4[%dma_wait3A_276, %select_n3A, %select_n3A_30, %dma_wait3A_277] : memref<3x2x16x8192xf32, #tpu.memory_space<hbm>> -> memref<1x1x1x8192xf32, #tpu.memory_space<hbm>>
    %dma_wait3A_279 = tpu.memref_squeeze %dma_wait3A_278 : memref<1x1x1x8192xf32, #tpu.memory_space<hbm>> -> memref<8192xf32, #tpu.memory_space<hbm>>
    %dma_wait3A_280 = arith.constant 0 : i32
    %dma_wait3A_281 = tpu.memref_slice %arg4[%dma_wait3A_276, %select_n3A, %select_n3A_30, %dma_wait3A_280] : memref<3x2x16x8192xf32, #tpu.memory_space<hbm>> -> memref<1x1x1x8192xf32, #tpu.memory_space<hbm>>
    %dma_wait3A_282 = tpu.memref_squeeze %dma_wait3A_281 : memref<1x1x1x8192xf32, #tpu.memory_space<hbm>> -> memref<8192xf32, #tpu.memory_space<hbm>>
    tpu.wait_dma2 semaphore(%arg12 : memref<!tpu.dma_semaphore, #tpu.memory_space<semaphore_mem>>) src(%arg8 : memref<8192xf32, #tpu.memory_space<vmem>>) dst(%dma_wait3A_282 : memref<8192xf32, #tpu.memory_space<hbm>>)
    %dma_wait3A_283 = arith.constant 2 : i32
    %dma_wait3A_284 = arith.constant 0 : i32
    %dma_wait3A_285 = tpu.memref_slice %arg4[%dma_wait3A_283, %select_n3A, %select_n3A_30, %dma_wait3A_284] : memref<3x2x16x8192xf32, #tpu.memory_space<hbm>> -> memref<1x1x1x8192xf32, #tpu.memory_space<hbm>>
    %dma_wait3A_286 = tpu.memref_squeeze %dma_wait3A_285 : memref<1x1x1x8192xf32, #tpu.memory_space<hbm>> -> memref<8192xf32, #tpu.memory_space<hbm>>
    %dma_wait3A_287 = arith.constant 0 : i32
    %dma_wait3A_288 = tpu.memref_slice %arg4[%dma_wait3A_283, %select_n3A, %select_n3A_30, %dma_wait3A_287] : memref<3x2x16x8192xf32, #tpu.memory_space<hbm>> -> memref<1x1x1x8192xf32, #tpu.memory_space<hbm>>
    %dma_wait3A_289 = tpu.memref_squeeze %dma_wait3A_288 : memref<1x1x1x8192xf32, #tpu.memory_space<hbm>> -> memref<8192xf32, #tpu.memory_space<hbm>>
    tpu.wait_dma2 semaphore(%arg12 : memref<!tpu.dma_semaphore, #tpu.memory_space<semaphore_mem>>) src(%arg9 : memref<8192xf32, #tpu.memory_space<vmem>>) dst(%dma_wait3A_289 : memref<8192xf32, #tpu.memory_space<hbm>>)
    return
  }
}

</mosaic_0001>

<sc_bundles>
// kernel: kernel.3.cloned.1.call-start
scs
__scs_entry_jumppad:
0x0: {  	(pc) =	sbr.rel $0x88, $3  }
0x1: {  	(tag) =	ssettag $0x0;
	lr =	simm.s32 $0x1  }
0x2: {  	[smem:$0x3F9F] =	sst lr;
	_ =	strace $0xD0000000  }
0x3: {  	_ = 	snop  }
0x4: {  	_ = 	snop  }
0x5: {  	_ = 	snop  }
0x6: {  	_ = 	snop  }
0x7: {  	_ = 	snop  }
__scs_overlays_trampoline_lowered:
0x8: {  	[smem:$0x3FAE] =	sst s0  }
0x9: {  	[smem:$0x3FAF] =	sst s1  }
0xa: {  	[smem:$0x3FB0] =	sst s2  }
0xb: {  	[smem:$0x3FB1] =	sst s3  }
0xc: {  	[smem:$0x3FB2] =	sst s4  }
0xd: {  	[smem:$0x3FB3] =	sst s5  }
0xe: {  	[smem:$0x3FB4] =	sst s6  }
0xf: {  	[smem:$0x3FB5] =	sst s7  }
0x10: {  	[smem:$0x3FB6] =	sst s8  }
0x11: {  	[smem:$0x3FB7] =	sst s9;
	s0 =	simm.s32 @!p0 $0x0  }
0x12: {  	s1 =	sld [smem:$0x3F9D];
	s0 =	simm.s32 @p0 $0x1  }
0x13: {  	[smem:$0x3FB8] =	sst s0;
	s0 =	simm.s32 @!p1 $0x0  }
0x14: {  	s2 =	sld [smem:$0x3F9C];
	s0 =	simm.s32 @p1 $0x1  }
0x15: {  	[smem:$0x3FB9] =	sst s0;
	s0 =	simm.s32 @!p2 $0x0  }
0x16: {  	s3 =	sld [smem:$0x3FDB];
	s0 =	simm.s32 @p2 $0x1  }
0x17: {  	s4 =	simm.s32 $0x1BF5;
	[smem:$0x3FBB] =	sst s0  }
0x18: {  	s0 =	sld [smem:$0x3F9E];
	_ =	swait.ge [sflag:s4], $0x0  }
0x19: {  	s7 =	sld [smem:$0x3F9F]  }
0x1a: {  	s8 =	sadd.s32 $0xFFFFE003, lr  }
0x1b: {  	s9 =	sadd.s32 $0xFFFFFEF7, lr;
	s5 =	simm.s32 $0xFFFFFFFF;
	p2 =	slt.u32 s8, $0xFFFFF086  }
0x1c: {  	p1 =	slt.u32 s9, $0xF7A;
	s5 =	simm.s32 @!p2 $0x0  }
0x1d: {  	s5 =	simm.s32 @p1 $0x1;
	p0 =	seq.s32 s7, s2  }
0x1e: {  	s7 =	smul.u32 @!p0 $0xF7A, s2;
	p2 =	seq.s32 @!p0 s5, $0x0  }
0x1f: {  	s9 =	smul.u32 $0xF7A, s1;
	s8 =	simm.s32 @!p0 $0x1BF5;
	p2 =	por !p2, p0  }
0x20: {  	[sflag:s8] =	ssyncset.s32 @!p0 $0xFFFFF086;
	s6 =	sadd.s32 @!p0 s3, s7;
	s7 =	simm.s32 @!p0 $0x108  }
0x21: {  	s3 =	sadd.s32 s3, s9;
	s6 =	sadd.s32 @!p0 $0x88, s6;
	s7 =	simm.s32 @p2 $0x1082  }
0x22: {  	[simem:s7], [sflag:s8] =	dma.local @!p0 [hbm:s6], $0xF7A  }
0x23: {  	s9 =	sor.u32 $0xD0000000, s2;
	s6 =	simm.s32 $0x108;
	_ =	swait.ge @!p0 [sflag:s8], $0x0  }
0x24: {  	s3 =	sadd.s32 $0x88, s3;
	s6 =	simm.s32 @!p1 $0x1082;
	[sflag:s4] =	ssyncset.s32 $0xFFFFF086  }
0x25: {  	[simem:s6], [sflag:s4] =	dma.local [hbm:s3], $0xF7A  }
0x26: {  	[smem:$0x3F9F] =	sst s1;
	(tag) =	ssettag s2;
	_ =	strace s9  }
0x27: {  	s1 =	sld [smem:$0x3FAF]  }
0x28: {  	s2 =	sld [smem:$0x3FB0]  }
0x29: {  	s4 =	sld [smem:$0x3FB2]  }
0x2a: {  	p0 =	seq.s32 s5, $0x0;
	s5 =	sld [smem:$0x3FB3]  }
0x2b: {  	s6 =	sld [smem:$0x3FB4]  }
0x2c: {  	s7 =	sld [smem:$0x3FB5]  }
0x2d: {  	s3 =	simm.s32 $0x108;
	s8 =	sld [smem:$0x3FB6]  }
0x2e: {  	s3 =	simm.s32 @!p0 $0x1082;
	s9 =	sld [smem:$0x3FB7]  }
0x2f: {  	lr =	sadd.s32 s0, s3;
	s0 =	sld [smem:$0x3FAE]  }
0x30: {  	s3 =	sld [smem:$0x3FB1]  }
0x31: {  	[smem:$0x3FBA] =	sst s10  }
0x32: {  	s10 =	sld [smem:$0x3FB8];
	_ =	sdelay $0x3  }
0x33: {  	p0 =	seq.s32 s10, $0x1;
	s10 =	sld [smem:$0x3FBA];
	_ =	sdelay $0x3  }
0x34: {  	[smem:$0x3FBA] =	sst s10  }
0x35: {  	s10 =	sld [smem:$0x3FB9];
	_ =	sdelay $0x3  }
0x36: {  	p1 =	seq.s32 s10, $0x1;
	s10 =	sld [smem:$0x3FBA];
	_ =	sdelay $0x3  }
0x37: {  	[smem:$0x3FBA] =	sst s10  }
0x38: {  	s10 =	sld [smem:$0x3FBB]  }
0x39: {  	_ = 	snop;
	(pc) =	sbr.ind lr, $3  }
0x3a: {  	_ = 	snop  }
0x3b: {  	_ = 	snop  }
0x3c: {  	p2 =	seq.s32 s10, $0x1;
	s10 =	sld [smem:$0x3FBA]  }
0x3d: {  	_ =	shalt  }
0x3e: {  	_ =	shalt  }
0x3f: {  	_ =	shalt  }
0x40: {  	_ =	shalt  }
0x41: {  	_ =	shalt  }
0x42: {  	_ =	shalt  }
0x43: {  	_ =	shalt  }
0x44: {  	_ =	shalt  }
0x45: {  	_ =	shalt  }
0x46: {  	_ =	shalt  }
0x47: {  	_ =	shalt  }
0x48: {  	_ =	shalt  }
0x49: {  	_ =	shalt  }
0x4a: {  	_ =	shalt  }
0x4b: {  	_ =	shalt  }
0x4c: {  	_ =	shalt  }
0x4d: {  	_ =	shalt  }
0x4e: {  	_ =	shalt  }
0x4f: {  	_ =	shalt  }
0x50: {  	_ =	shalt  }
0x51: {  	_ =	shalt  }
0x52: {  	_ =	shalt  }
0x53: {  	_ =	shalt  }
0x54: {  	_ =	shalt  }
0x55: {  	_ =	shalt  }
0x56: {  	_ =	shalt  }
0x57: {  	_ =	shalt  }
0x58: {  	_ =	shalt  }
0x59: {  	_ =	shalt  }
0x5a: {  	_ =	shalt  }
0x5b: {  	_ =	shalt  }
0x5c: {  	_ =	shalt  }
0x5d: {  	_ =	shalt  }
0x5e: {  	_ =	shalt  }
0x5f: {  	_ =	shalt  }
0x60: {  	_ =	shalt  }
0x61: {  	_ =	shalt  }
0x62: {  	_ =	shalt  }
0x63: {  	_ =	shalt  }
0x64: {  	_ =	shalt  }
0x65: {  	_ =	shalt  }
0x66: {  	_ =	shalt  }
0x67: {  	_ =	shalt  }
0x68: {  	_ =	shalt  }
0x69: {  	_ =	shalt  }
0x6a: {  	_ =	shalt  }
0x6b: {  	_ =	shalt  }
0x6c: {  	_ =	shalt  }
0x6d: {  	_ =	shalt  }
0x6e: {  	_ =	shalt  }
0x6f: {  	_ =	shalt  }
0x70: {  	_ =	shalt  }
0x71: {  	_ =	shalt  }
0x72: {  	_ =	shalt  }
0x73: {  	_ =	shalt  }
0x74: {  	_ =	shalt  }
0x75: {  	_ =	shalt  }
0x76: {  	_ =	shalt  }
0x77: {  	_ =	shalt  }
0x78: {  	_ =	shalt  }
0x79: {  	_ =	shalt  }
0x7a: {  	_ =	shalt  }
0x7b: {  	_ =	shalt  }
0x7c: {  	_ =	shalt  }
0x7d: {  	_ =	shalt  }
0x7e: {  	_ =	shalt  }
0x7f: {  	_ =	shalt  }
0x80: {  	_ =	shalt  }
0x81: {  	_ =	shalt  }
0x82: {  	_ =	shalt  }
0x83: {  	_ =	shalt  }
0x84: {  	_ =	shalt  }
0x85: {  	_ =	shalt  }
0x86: {  	_ =	shalt  }
0x87: {  	_ =	shalt  }
.Lfunc_end0:
.L_simem_size_0:
called_computation_lowered:
.L_overlay_start_0:
0x88: {  	s2 =	sld [smem:$0x3FD9]  }
0x89: {  	s3 =	sld [smem:$0x3FFE];
	_ =	sdelay $0x1  }
0x8a: {  	s1 =	srdreg.scid  }
0x8b: {  	s0 =	sand.u32 $0x1, s1  }
0x8c: {  	s18 =	sshll.u32 s0, $0xA;
	s2 =	sadd.s32 s3, s2  }
0x8d: {  	s2 =	sadd.s32 s2, s18  }
0x8e: {  	[smem:$0x3FC6] =	sst s2  }
0x8f: {  	_ = 	snop  }
0x90: {  	s2 =	sld [smem:$0x3FC9]  }
0x91: {  	s19 =	sld [smem:$0x3FC8]  }
0x92: {  	s4 =	sld [smem:$0x3FD0];
	(tm) =	ssettm $0x1  }
0x93: {  	s5 =	sld [smem:$0x3FFB];
	_ =	sdelay $0x3  }
0x94: {  	_ =	strace s5  }
0x95: {  	s5 =	sld [smem:$0x3FFC];
	_ =	sdelay $0x3  }
0x96: {  	_ =	strace s5  }
0x97: {  	s5 =	sld [smem:$0x3FFD];
	_ =	sdelay $0x3  }
0x98: {  	_ =	strace s5  }
0x99: {  	_ =	strace $0x8FFFFFFF  }
0x9a: {  	s20 =	sld [smem:$0x3FDB];
	_ =	sdelay $0x1  }
0x9b: {  	s6 =	simm.s32 $_scs_section_size  }
0x9c: {  	s7 =	simm.s32 $_size__tile_overlayer_lowered;
	s8 =	simm.s32 $_tile_overlayer_lowered  }
0x9d: {  	s23 =	simm.s32 $0x1BFF;
	s22 =	sshll.u32 s8, $0x1;
	s5 =	sadd.s32 s6, s20  }
0x9e: {  	s9 =	simm.s32 $0x0;
	s21 =	sshll.u32 s7, $0x1;
	s7 =	sadd.s32 s22, s5  }
0x9f: {  	[timem:s9], [sflag:s23] =	dma.local [hbm:s7], s21  }
0xa0: {  	_ =	swait.ge [sflag:s23], s21  }
0xa1: {  	s6 =	ssub.s32 $0x0, s21;
	[sflag:s23] =	ssyncset.done $0x0  }
0xa2: {  	[sflag:s23] =	ssyncadd.s32 s6;
	_ =	sdelay $0x1  }
0xa3: {  	s24 =	simm.s32 $0x1B8B  }
0xa4: {  	_ =	swait.ge [sflag:s24], $0x1  }
0xa5: {  	[sflag:s24] =	ssyncset.done $0x0  }
0xa6: {  	s25 =	simm.s32 $0x1B8E;
	[sflag:s24] =	ssyncadd.s32 $0xFFFFFFFF  }
0xa7: {  	s26 =	simm.s32 $execute0_lowered;
	[smem:$0x3FD2] =	sst s25  }
0xa8: {  	s6 =	sshll.u32 s26, $0x1;
	_ =	strace $0x80000046;
	[dreg:$0x1] =	wrdreg $0xFFFFFFFF  }
0xa9: {  	s28 =	simm.s32 $_size_execute0_lowered;
	s5 =	sadd.s32 s5, s6;
	[dreg:$0x0] =	wrdreg $0x0  }
0xaa: {  	s6 =	sshll.u32 s28, $0x1;
	[dreg:$0x2] =	wrdreg s5  }
0xab: {  	[dreg:$0x3] =	wrdreg s6  }
0xac: {  	[dreg:$0x4] =	wrdreg $0xC0  }
0xad: {  	_ =	task [dreg:s9], $0x5FFFF  }
0xae: {  	[dreg:$0x1] =	wrdreg $0xFFFFFFFF  }
0xaf: {  	[dreg:$0x0] =	wrdreg $0x60  }
0xb0: {  	[dreg:$0x2] =	wrdreg s2  }
0xb1: {  	[dreg:$0x3] =	wrdreg s19  }
0xb2: {  	[dreg:$0x4] =	wrdreg s4  }
0xb3: {  	[dreg:$0x5] =	wrdreg $0x9  }
0xb4: {  	_ =	task.clear_ibuf [dreg:s9], $0x6FFFF;
	_ =	strace $0x90000046  }
0xb5: {  	s29 =	simm.s32 $0x9;
	_ =	strace $0x80000048  }
0xb6: {  	_ =	swait.ge [sflag:s29], $0x1  }
0xb7: {  	[sflag:s29] =	ssyncadd.s32 $0xFFFFFFFF  }
0xb8: {  	_ =	strace $0x90000048  }
0xb9: {  	_ =	sfence  }
0xba: {  	s30 =	sld [smem:$0x0];
	_ =	sdelay $0x2  }
0xbb: {  	s31 =	sshll.u32 s1, $0xD;
	s1 =	sshrl.u32 s1, $0x2  }
0xbc: {  	s3 =	sand.u32 $0x4000, s31;
	s1 =	sadd.s32 s1, s30  }
0xbd: {  	s0 =	sor.u32 s3, s0;
	s1 =	sshll.u32 s1, $0x11  }
0xbe: {  	s0 =	sor.u32 s1, s0  }
0xbf: {  	s0 =	sadd.s32 $0x8F2B, s0  }
0xc0: {  	[sflag:s0] =	ssyncadd.remote.s32 $0x1  }
0xc1: {  	_ =	sfence.sel $0xFFFF  }
0xc2: {  	[dreg:$0x0] =	wrdreg $0xFFFFFFFF;
	(pc) =	sbr.abs _section_cstart, $3  }
0xc3: {  	[dreg:$0x1] =	wrdreg $0xFFFFFFFF  }
0xc4: {  	_ =	task.clear_ibuf [dreg:s9], $0x2FFFF;
	_ =	strace $0x9FFFFFFF  }
0xc5: {  	(tm) =	ssettm $0x7FFFFFFF  }
tec
execute0_lowered:
.L_overlay_start_1:
0x0: {  	(tag) =	ssettag $0x1  }
0x1: {  	s2 =	rddreg [dreg:$0x0]  }
0x2: {  	s0 =	rddreg [dreg:$0x1]  }
0x3: {  	s1 =	rddreg [dreg:$0x2]  }
0x4: {  	s6 =	stileid.u32;
	s4 =	srdreg.scid  }
0x5: {  	s3 =	simm.s32 $0x0;
	s12 =	simm.s32 $0x4;
	s13 =	simm.s32 $0x4000  }
0x6: {  	s14 =	simm.s32 $0x6000;
	s15 =	simm.s32 $0x8000;
	s16 =	simm.s32 $0x800  }
0x7: {  	s17 =	simm.s32 $0x2800;
	s21 =	simm.s32 $0x3000;
	s25 =	simm.s32 $0x3800  }
0x8: {  	s28 =	simm.s32 $0x7800;
	s29 =	simm.s32 $0x9800;
	s30 =	simm.s32 $0x1  }
0x9: {  	s31 =	simm.s32 $0x2;
	s5 =	sshll.u32 s6, $0x1;
	s4 =	sand.u32 $0x1, s4  }
0xa: {  	[smem:$0x7FF] =	sst s3;
	s6 =	sshrl.u32 s6, $0x3;
	s5 =	sand.u32 $0xE, s5  }
0xb: {  	s7 =	sshll.u32 s6, $0xE;
	s5 =	sor.u32 s4, s5;
	s4 =	ssub.s32 $0x2, s4  }
0xc: {  	_ =	strace $0x80000047;
	s5 =	sshll.u32 s5, $0xA;
	s8 =	sshrl.u32 s4, $0x1  }
0xd: {  	s9 =	sor.u32 s7, s5;
	s11 =	ssub.s32 s4, s8;
	s5 =	sshll.u32 s6, $0x14  }
0xe: {  	s6 =	sadd.s32 $0x40000, s2;
	s7 =	sadd.s32 $0x80000, s2;
	s4 =	sadd.s32 s0, s9  }
0xf: {  	s8 =	sadd.s32 s1, s9;
	s11 =	smax.u32 s11, $0x1;
	s0 =	simm.s32 $0x3  }
0x10: {  	s1 =	simm.s32 $0x0;
	s9 =	sadd.s32 $0x8000, s8;
	s10 =	sadd.s32 $0x10000, s8  }
.LBB2_1:
0x11: {  	[tilespmem:s3], [sflag:$0x4] =	stream.linear.gather [hbm4b:s4+s3], $0x2000, $0x38;
	[tilespmem:$0xA000] =	vst v63  }
0x12: {  	s18 =	sand.u32 $0x1000, s3;
	_ =	swait.ge [sflag:s12], $0x2000  }
0x13: {  	s19 =	sand.u32 $0x3F0, s3;
	s18 =	sshrl.u32 s18, $0x2;
	[sflag:s12] =	ssyncset.done $0x0  }
0x14: {  	s18 =	sor.u32 s19, s18;
	[sflag:s12] =	ssyncadd.s32 $0xFFFFE000  }
0x15: {  	v0 =	vld [tilespmem:s18+$0x0];
	_ =	sdelay $0x3  }
0x16: {  	s26 =	sand.u32 $0x380, s3;
	s20 =	simm.s32 $0x20  }
0x17: {  	s22 =	sor.u32 s5, s26;
	s19 =	simm.s32 $0x10;
	s18 =	simm.s32 $0x40;
	v1 =	vshll.u32 v0, $0x3;
	v2 =	vand.u32 $0x7F, v0  }
0x18: {  	s23 =	sand.u32 $0x3F0, s19;
	s24 =	sand.u32 $0x1000, s18;
	v0 =	vand.u32 $0xFFFFFC00, v1;
	v1 =	vor.u32 s22, v2;
	s22 =	simm.s32 $0x0  }
.LBB2_2:
0x19: {  	p0 =	sne.s32 s20, $0x7F0;
	s24 =	sshrl.u32 s24, $0x2;
	v0 =	vadd.s32 v0, v1;
	s22 =	sshra.s32 s22, $0x2  }
0x1a: {  	s23 =	sor.u32 s23, s24;
	[tilespmem:s22+$0x2000] =	vst v0;
	s22 =	smov.u32 s18  }
0x1b: {  	v0 =	vld [tilespmem:s23+$0x0];
	_ =	sdelay $0x1  }
.Ltmp0:
0x1c: {  	(pc) =	sbr.rel @p0 .LBB2_2-.Ltmp0, $4  }
0x1d: {  	_ = 	snop  }
0x1e: {  	s23 =	sand.u32 $0x380, s19;
	s19 =	smov.u32 s20  }
0x1f: {  	s18 =	sadd.s32 $0x40, s18;
	s26 =	sor.u32 s5, s23;
	v1 =	vshll.u32 v0, $0x3;
	v2 =	vand.u32 $0x7F, v0  }
0x20: {  	s24 =	sand.u32 $0x1000, s18;
	s20 =	sadd.s32 $0x10, s20;
	s23 =	sand.u32 $0x3F0, s19;
	v0 =	vand.u32 $0xFFFFFC00, v1;
	v1 =	vor.u32 s26, v2  }
0x21: {  	s20 =	sshrl.u32 s24, $0x2;
	v0 =	vadd.s32 v0, v1;
	s22 =	sshra.s32 s22, $0x2  }
0x22: {  	s20 =	sor.u32 s23, s20;
	[tilespmem:s22+$0x2000] =	vst v0  }
0x23: {  	v0 =	vld [tilespmem:s20+$0x0];
	_ =	sdelay $0x3  }
0x24: {  	s19 =	sand.u32 $0x380, s19  }
0x25: {  	s19 =	sor.u32 s5, s19;
	v1 =	vshll.u32 v0, $0x3;
	v0 =	vand.u32 $0x7F, v0  }
0x26: {  	v1 =	vand.u32 $0xFFFFFC00, v1;
	v0 =	vor.u32 s19, v0  }
0x27: {  	s18 =	sshra.s32 s18, $0x2;
	s19 =	simm.s32 $0x2000;
	v0 =	vadd.s32 v1, v0  }
0x28: {  	s23 =	simm.s32 $0x800;
	s24 =	sand.u32 $0x3000, s19;
	[tilespmem:s18+$0x2000] =	vst v0  }
0x29: {  	[tilespmem:s13], [sflag:$0x1] =	stream.indirect.gather [hbm4b:s2+s23], $0x1, s19, s23, $0xb8;
	[tilespmem:$0xA000] =	vst v63  }
0x2a: {  	s26 =	sand.u32 $0x3F0, s23;
	s20 =	sshrl.u32 s24, $0x2  }
0x2b: {  	[tilespmem:s14], [sflag:$0x1] =	stream.indirect.gather [hbm4b:s6+s23], $0x1, s19, s23, $0xb8;
	[tilespmem:$0xA000] =	vst v63  }
0x2c: {  	s20 =	sor.u32 s26, s20  }
0x2d: {  	[tilespmem:s15], [sflag:$0x1] =	stream.indirect.gather [hbm4b:s7+s23], $0x1, s19, s23, $0xb8;
	[tilespmem:$0xA000] =	vst v63  }
0x2e: {  	v0 =	vld [tilespmem:s20+$0x0];
	_ =	sdelay $0x3  }
0x2f: {  	s18 =	sand.u32 $0x380, s23  }
0x30: {  	s26 =	sor.u32 s5, s18;
	s18 =	simm.s32 $0x2040;
	s20 =	simm.s32 $0x810;
	v1 =	vshll.u32 v0, $0x3;
	v2 =	vand.u32 $0x7F, v0  }
0x31: {  	s22 =	simm.s32 $0x820;
	s24 =	sand.u32 $0x3000, s18;
	s23 =	sand.u32 $0x3F0, s20;
	v0 =	vand.u32 $0xFFFFFC00, v1;
	v1 =	vor.u32 s26, v2  }
.LBB2_4:
0x32: {  	p0 =	sne.s32 s22, $0xFF0;
	s24 =	sshrl.u32 s24, $0x2;
	v0 =	vadd.s32 v0, v1;
	s19 =	sshra.s32 s19, $0x2  }
0x33: {  	s23 =	sor.u32 s23, s24;
	[tilespmem:s19+$0x2000] =	vst v0;
	s19 =	smov.u32 s18  }
0x34: {  	v0 =	vld [tilespmem:s23+$0x0];
	_ =	sdelay $0x1  }
.Ltmp1:
0x35: {  	(pc) =	sbr.rel @p0 .LBB2_4-.Ltmp1, $4  }
0x36: {  	_ = 	snop  }
0x37: {  	s23 =	sand.u32 $0x380, s20;
	s20 =	smov.u32 s22  }
0x38: {  	s18 =	sadd.s32 $0x40, s18;
	s26 =	sor.u32 s5, s23;
	v1 =	vshll.u32 v0, $0x3;
	v2 =	vand.u32 $0x7F, v0  }
0x39: {  	s24 =	sand.u32 $0x3000, s18;
	s22 =	sadd.s32 $0x10, s22;
	s23 =	sand.u32 $0x3F0, s20;
	v0 =	vand.u32 $0xFFFFFC00, v1;
	v1 =	vor.u32 s26, v2  }
0x3a: {  	s22 =	sshrl.u32 s24, $0x2;
	v0 =	vadd.s32 v0, v1;
	s19 =	sshra.s32 s19, $0x2  }
0x3b: {  	s22 =	sor.u32 s23, s22;
	[tilespmem:s19+$0x2000] =	vst v0  }
0x3c: {  	v0 =	vld [tilespmem:s22+$0x0];
	_ =	sdelay $0x3  }
0x3d: {  	s26 =	sand.u32 $0x380, s20  }
0x3e: {  	s19 =	sor.u32 s5, s26;
	v1 =	vshll.u32 v0, $0x3;
	v0 =	vand.u32 $0x7F, v0  }
0x3f: {  	v1 =	vand.u32 $0xFFFFFC00, v1;
	v0 =	vor.u32 s19, v0  }
0x40: {  	s18 =	sshra.s32 s18, $0x2;
	v0 =	vadd.s32 v1, v0  }
0x41: {  	s19 =	simm.s32 $0x4800;
	[tilespmem:s18+$0x2000] =	vst v0  }
0x42: {  	[tilespmem:s19], [sflag:$0x2] =	stream.indirect.gather [hbm4b:s2+s16], $0x1, s17, s16, $0xb8;
	[tilespmem:$0xA000] =	vst v63  }
0x43: {  	s19 =	simm.s32 $0x4000  }
0x44: {  	s20 =	simm.s32 $0x6800;
	s23 =	simm.s32 $0x1000;
	s24 =	sand.u32 $0x7000, s19  }
0x45: {  	[tilespmem:s20], [sflag:$0x2] =	stream.indirect.gather [hbm4b:s6+s16], $0x1, s17, s16, $0xb8;
	[tilespmem:$0xA000] =	vst v63  }
0x46: {  	s26 =	sand.u32 $0x3F0, s23;
	s20 =	sshrl.u32 s24, $0x2  }
0x47: {  	s22 =	simm.s32 $0x8800;
	s20 =	sor.u32 s26, s20  }
0x48: {  	[tilespmem:s22], [sflag:$0x2] =	stream.indirect.gather [hbm4b:s7+s16], $0x1, s17, s16, $0xb8;
	[tilespmem:$0xA000] =	vst v63  }
0x49: {  	v0 =	vld [tilespmem:s20+$0x0];
	_ =	sdelay $0x3  }
0x4a: {  	s18 =	sand.u32 $0x380, s23  }
0x4b: {  	s26 =	sor.u32 s5, s18;
	s18 =	simm.s32 $0x4040;
	s20 =	simm.s32 $0x1010;
	v1 =	vshll.u32 v0, $0x3;
	v2 =	vand.u32 $0x7F, v0  }
0x4c: {  	s24 =	sand.u32 $0x7000, s18;
	s22 =	simm.s32 $0x1020;
	s23 =	sand.u32 $0x3F0, s20;
	v0 =	vand.u32 $0xFFFFFC00, v1;
	v1 =	vor.u32 s26, v2  }
.LBB2_6:
0x4d: {  	p0 =	sne.s32 s22, $0x17F0;
	s24 =	sshrl.u32 s24, $0x2;
	v0 =	vadd.s32 v0, v1;
	s19 =	sshra.s32 s19, $0x2  }
0x4e: {  	s23 =	sor.u32 s23, s24;
	[tilespmem:s19+$0x2000] =	vst v0;
	s19 =	smov.u32 s18  }
0x4f: {  	v0 =	vld [tilespmem:s23+$0x0];
	_ =	sdelay $0x1  }
.Ltmp2:
0x50: {  	(pc) =	sbr.rel @p0 .LBB2_6-.Ltmp2, $4  }
0x51: {  	_ = 	snop  }
0x52: {  	s23 =	sand.u32 $0x380, s20;
	s20 =	smov.u32 s22  }
0x53: {  	s18 =	sadd.s32 $0x40, s18;
	s26 =	sor.u32 s5, s23;
	v1 =	vshll.u32 v0, $0x3;
	v2 =	vand.u32 $0x7F, v0  }
0x54: {  	s24 =	sand.u32 $0x7000, s18;
	s22 =	sadd.s32 $0x10, s22;
	s23 =	sand.u32 $0x3F0, s20;
	v0 =	vand.u32 $0xFFFFFC00, v1;
	v1 =	vor.u32 s26, v2  }
0x55: {  	s22 =	sshrl.u32 s24, $0x2;
	v0 =	vadd.s32 v0, v1;
	s19 =	sshra.s32 s19, $0x2  }
0x56: {  	s22 =	sor.u32 s23, s22;
	[tilespmem:s19+$0x2000] =	vst v0  }
0x57: {  	v0 =	vld [tilespmem:s22+$0x0];
	_ =	sdelay $0x3  }
0x58: {  	s26 =	sand.u32 $0x380, s20  }
0x59: {  	s19 =	sor.u32 s5, s26;
	v1 =	vshll.u32 v0, $0x3;
	v0 =	vand.u32 $0x7F, v0  }
0x5a: {  	v1 =	vand.u32 $0xFFFFFC00, v1;
	v0 =	vor.u32 s19, v0  }
0x5b: {  	s18 =	sshra.s32 s18, $0x2;
	v0 =	vadd.s32 v1, v0  }
0x5c: {  	s19 =	simm.s32 $0x5000;
	[tilespmem:s18+$0x2000] =	vst v0  }
0x5d: {  	[tilespmem:s19], [sflag:$0x1] =	stream.indirect.gather [hbm4b:s2+s16], $0x1, s21, s16, $0xb8;
	[tilespmem:$0xA000] =	vst v63  }
0x5e: {  	s19 =	simm.s32 $0x6000  }
0x5f: {  	s20 =	simm.s32 $0x7000;
	s23 =	simm.s32 $0x1800;
	s24 =	sand.u32 $0x7000, s19  }
0x60: {  	[tilespmem:s20], [sflag:$0x1] =	stream.indirect.gather [hbm4b:s6+s16], $0x1, s21, s16, $0xb8;
	[tilespmem:$0xA000] =	vst v63  }
0x61: {  	s26 =	sand.u32 $0x3F0, s23;
	s20 =	sshrl.u32 s24, $0x2  }
0x62: {  	s22 =	simm.s32 $0x9000;
	s20 =	sor.u32 s26, s20  }
0x63: {  	[tilespmem:s22], [sflag:$0x1] =	stream.indirect.gather [hbm4b:s7+s16], $0x1, s21, s16, $0xb8;
	[tilespmem:$0xA000] =	vst v63  }
0x64: {  	v0 =	vld [tilespmem:s20+$0x0];
	_ =	sdelay $0x3  }
0x65: {  	s18 =	sand.u32 $0x380, s23  }
0x66: {  	s26 =	sor.u32 s5, s18;
	s18 =	simm.s32 $0x6040;
	s20 =	simm.s32 $0x1810;
	v1 =	vshll.u32 v0, $0x3;
	v2 =	vand.u32 $0x7F, v0  }
0x67: {  	s24 =	sand.u32 $0x7000, s18;
	s22 =	simm.s32 $0x1820;
	s23 =	sand.u32 $0x3F0, s20;
	v0 =	vand.u32 $0xFFFFFC00, v1;
	v1 =	vor.u32 s26, v2  }
.LBB2_8:
0x68: {  	p0 =	sne.s32 s22, $0x1FF0;
	s24 =	sshrl.u32 s24, $0x2;
	v0 =	vadd.s32 v0, v1;
	s19 =	sshra.s32 s19, $0x2  }
0x69: {  	s23 =	sor.u32 s23, s24;
	[tilespmem:s19+$0x2000] =	vst v0;
	s19 =	smov.u32 s18  }
0x6a: {  	v0 =	vld [tilespmem:s23+$0x0];
	_ =	sdelay $0x1  }
.Ltmp3:
0x6b: {  	(pc) =	sbr.rel @p0 .LBB2_8-.Ltmp3, $4  }
0x6c: {  	_ = 	snop  }
0x6d: {  	s23 =	sand.u32 $0x380, s20;
	s20 =	smov.u32 s22  }
0x6e: {  	s18 =	sadd.s32 $0x40, s18;
	s26 =	sor.u32 s5, s23;
	v1 =	vshll.u32 v0, $0x3;
	v2 =	vand.u32 $0x7F, v0  }
0x6f: {  	s24 =	sand.u32 $0x7000, s18;
	s22 =	sadd.s32 $0x10, s22;
	s23 =	sand.u32 $0x3F0, s20;
	v0 =	vand.u32 $0xFFFFFC00, v1;
	v1 =	vor.u32 s26, v2  }
0x70: {  	s22 =	sshrl.u32 s24, $0x2;
	v0 =	vadd.s32 v0, v1;
	s19 =	sshra.s32 s19, $0x2  }
0x71: {  	s22 =	sor.u32 s23, s22;
	[tilespmem:s19+$0x2000] =	vst v0  }
0x72: {  	v0 =	vld [tilespmem:s22+$0x0];
	_ =	sdelay $0x3  }
0x73: {  	s24 =	sand.u32 $0x380, s20  }
0x74: {  	s19 =	sor.u32 s5, s24;
	v63 =	vshll.u32 v0, $0x3;
	v0 =	vand.u32 $0x7F, v0  }
0x75: {  	v1 =	vand.u32 $0xFFFFFC00, v63;
	v0 =	vor.u32 s19, v0  }
0x76: {  	s18 =	sshra.s32 s18, $0x2;
	v0 =	vadd.s32 v1, v0  }
0x77: {  	s26 =	simm.s32 $0x5800;
	[tilespmem:s18+$0x2000] =	vst v0  }
0x78: {  	[tilespmem:s26], [sflag:$0x2] =	stream.indirect.gather [hbm4b:s2+s16], $0x1, s25, s16, $0xb8;
	[tilespmem:$0xA000] =	vst v63  }
0x79: {  	_ = 	snop  }
0x7a: {  	[tilespmem:s28], [sflag:$0x2] =	stream.indirect.gather [hbm4b:s6+s16], $0x1, s25, s16, $0xb8;
	[tilespmem:$0xA000] =	vst v63  }
0x7b: {  	_ = 	snop  }
0x7c: {  	[tilespmem:s29], [sflag:$0x2] =	stream.indirect.gather [hbm4b:s7+s16], $0x1, s25, s16, $0xb8;
	[tilespmem:$0xA000] =	vst v63  }
0x7d: {  	_ =	swait.ge [sflag:s30], $0x800  }
0x7e: {  	[sflag:s30] =	ssyncset.done $0x0  }
0x7f: {  	[sflag:s30] =	ssyncadd.s32 $0xFFFFF800  }
0x80: {  	_ =	swait.ge [sflag:s30], $0x800  }
0x81: {  	[sflag:s30] =	ssyncset.done $0x0  }
0x82: {  	[sflag:s30] =	ssyncadd.s32 $0xFFFFF800  }
0x83: {  	_ =	swait.ge [sflag:s30], $0x800  }
0x84: {  	[sflag:s30] =	ssyncset.done $0x0  }
0x85: {  	[sflag:s30] =	ssyncadd.s32 $0xFFFFF800  }
0x86: {  	_ =	swait.ge [sflag:s31], $0x800  }
0x87: {  	[sflag:s31] =	ssyncset.done $0x0  }
0x88: {  	[sflag:s31] =	ssyncadd.s32 $0xFFFFF800  }
0x89: {  	_ =	swait.ge [sflag:s31], $0x800  }
0x8a: {  	[sflag:s31] =	ssyncset.done $0x0  }
0x8b: {  	[sflag:s31] =	ssyncadd.s32 $0xFFFFF800  }
0x8c: {  	_ =	swait.ge [sflag:s31], $0x800  }
0x8d: {  	[sflag:s31] =	ssyncset.done $0x0  }
0x8e: {  	[sflag:s31] =	ssyncadd.s32 $0xFFFFF800  }
0x8f: {  	_ =	swait.ge [sflag:s30], $0x800  }
0x90: {  	[sflag:s30] =	ssyncset.done $0x0  }
0x91: {  	[sflag:s30] =	ssyncadd.s32 $0xFFFFF800  }
0x92: {  	_ =	swait.ge [sflag:s30], $0x800  }
0x93: {  	[sflag:s30] =	ssyncset.done $0x0  }
0x94: {  	[sflag:s30] =	ssyncadd.s32 $0xFFFFF800  }
0x95: {  	_ =	swait.ge [sflag:s30], $0x800  }
0x96: {  	[sflag:s30] =	ssyncset.done $0x0  }
0x97: {  	[sflag:s30] =	ssyncadd.s32 $0xFFFFF800  }
0x98: {  	_ =	swait.ge [sflag:s31], $0x800  }
0x99: {  	[sflag:s31] =	ssyncset.done $0x0  }
0x9a: {  	[sflag:s31] =	ssyncadd.s32 $0xFFFFF800  }
0x9b: {  	_ =	swait.ge [sflag:s31], $0x800  }
0x9c: {  	[sflag:s31] =	ssyncset.done $0x0  }
0x9d: {  	[sflag:s31] =	ssyncadd.s32 $0xFFFFF800  }
0x9e: {  	_ =	swait.ge [sflag:s31], $0x800  }
0x9f: {  	[sflag:s31] =	ssyncset.done $0x0  }
0xa0: {  	[sflag:s31] =	ssyncadd.s32 $0xFFFFF800  }
0xa1: {  	[hbm4b:s8+s3] =	stream.linear.scatter [tilespmem:s13], [sflag:$0x3], $0x2000, $0x38;
	[tilespmem:$0xA000] =	vst v63  }
0xa2: {  	_ = 	snop  }
0xa3: {  	[hbm4b:s9+s3] =	stream.linear.scatter [tilespmem:s14], [sflag:$0x3], $0x2000, $0x38;
	[tilespmem:$0xA000] =	vst v63  }
0xa4: {  	_ = 	snop  }
0xa5: {  	[hbm4b:s10+s3] =	stream.linear.scatter [tilespmem:s15], [sflag:$0x3], $0x2000, $0x38;
	[tilespmem:$0xA000] =	vst v63  }
0xa6: {  	_ =	swait.ge [sflag:s0], $0x2000  }
0xa7: {  	[sflag:s0] =	ssyncset.done $0x0  }
0xa8: {  	s1 =	sadd.s32 $0x1, s1;
	[sflag:s0] =	ssyncadd.s32 $0xFFFFE000  }
0xa9: {  	p0 =	sne.s32 s1, s11;
	_ =	swait.ge [sflag:s0], $0x2000  }
.Ltmp4:
0xaa: {  	[sflag:s0] =	ssyncset.done $0x0;
	(pc) =	sbr.rel @p0 .LBB2_1-.Ltmp4, $4  }
0xab: {  	[sflag:s0] =	ssyncadd.s32 $0xFFFFE000  }
0xac: {  	_ =	swait.ge [sflag:s0], $0x2000  }
0xad: {  	[sflag:s0] =	ssyncset.done $0x0  }
0xae: {  	[sflag:s0] =	ssyncadd.s32 $0xFFFFE000  }
0xaf: {  	_ =	sfence.sel $0x180000  }
0xb0: {  	[bflag:$0x0] =	sbarrier.arrive $0xFFFF  }
0xb1: {  	_ =	strace $0x90000047  }
0xb2: {  	s0 =	stileid.u32;
	[bflag:$0x2] =	sbarrier.arrive $0xFFFF  }
0xb3: {  	p0 =	sne.s32 s0, $0x0;
	s0 =	rddreg [dreg:$0x3]  }
0xb4: {  	s0 =	sadd.s32 @!p0 $0x100000, s0  }
0xb5: {  	[sflag:s0] =	ssyncadd.tile.s32 @!p0 $0x1;
	_ =	shalt  }
.Lfunc_end2:
_tile_overlayer_lowered:
.L_overlay_start_2:
0xb6: {  	(tag) =	ssettag $0x2  }
0xb7: {  	s0 =	rddreg [dreg:$0x0];
	s2 =	stileid.u32  }
0xb8: {  	s1 =	rddreg [dreg:$0x1];
	p0 =	sne.s32 s2, $0x0  }
0xb9: {  	s3 =	rddreg [dreg:$0x2];
	[bflag:$0x3] =	sbarrier.arrive $0xFFFF;
	s2 =	simm.s32 @!p0 $0x1C04  }
0xba: {  	[timem:s3], [sflag:s2] =	dma.local @!p0 [hbm:s0], s1  }
0xbb: {  	s0 =	simm.s32 @!p0 $0x4  }
0xbc: {  	_ =	swait.ge @!p0 [sflag:s0], s1  }
0xbd: {  	s1 =	ssub.s32 @!p0 $0x0, s1;
	[sflag:s0] =	ssyncset.done @!p0 $0x0  }
0xbe: {  	[sflag:s0] =	ssyncadd.s32 @!p0 s1  }
0xbf: {  	[bflag:$0x3] =	sbarrier.arrive $0xFFFF  }
0xc0: {  	_ =	shalt  }

</sc_bundles>
